<compile_context>
chip_gen: v7x
topology: tpu7x:2x2x1
jax: 0.10.2.dev20260603
libtpu: 0.0.44.dev20260713+nightly
codegen_flags: <defaults>
</compile_context>

<pallas_src>
import functools

import jax
import jax.numpy as jnp
from jax import lax
from jax.experimental import pallas as pl
from jax.experimental.pallas import tpu as pltpu
from jax.experimental.pallas import tpu_sc as plsc

NC = 2
NS = 16
NW = NC * NS
CH = 512


@functools.partial(jax.jit, static_argnames=("n_chunks", "n_pad"))
def _sc_half(y, src3, dst3, zeros, n_chunks, n_pad):
    n, h = y.shape
    rows_per_tile = n_pad // NS
    cmax = src3.shape[1]
    ch = src3.shape[2]
    mesh = plsc.VectorSubcoreMesh(core_axis_name="c", subcore_axis_name="s")

    @functools.partial(
        pl.kernel,
        out_type=jax.ShapeDtypeStruct((NC, n_pad, h), jnp.float32),
        mesh=mesh,
        scratch_types=[
            pltpu.VMEM((cmax // 2, ch), jnp.int32),
            pltpu.VMEM((cmax // 2, ch), jnp.int32),
            pltpu.VMEM((ch, h), jnp.float32),
            pltpu.VMEM_SHARED((n_pad, h), jnp.float32),
            pltpu.VMEM_SHARED((n_pad, h), jnp.float32),
            pltpu.SemaphoreType.DMA,
        ],
        compiler_params=pltpu.CompilerParams(use_tc_tiling_on_sc=False),
    )
    def sc_kernel(y_hbm, src_hbm, dst_hbm, zeros_hbm, out_hbm,
                  src_v, dst_v, rows_v, y_sh, acc_sh, gsem):
        cid = lax.axis_index("c")
        sid = lax.axis_index("s")
        wid = sid * NC + cid
        rows = pl.ds(sid * rows_per_tile, rows_per_tile)
        pltpu.sync_copy(y_hbm.at[rows], y_sh.at[rows])
        pltpu.sync_copy(zeros_hbm, acc_sh.at[rows])
        plsc.subcore_barrier()

        def body(j, carry):
            pltpu.async_copy(y_sh.at[src_v.at[j]], rows_v, gsem).wait()
            pltpu.sync_copy(rows_v, acc_sh.at[dst_v.at[j]], add=True)
            return carry

        n_half = n_chunks // 2
        for base in (0, n_half):
            pltpu.sync_copy(src_hbm.at[wid, pl.ds(base, n_half)], src_v)
            pltpu.sync_copy(dst_hbm.at[wid, pl.ds(base, n_half)], dst_v)
            lax.fori_loop(0, n_half, body, 0)
        plsc.subcore_barrier()
        pltpu.sync_copy(acc_sh.at[rows], out_hbm.at[cid, rows])

    return sc_kernel(y, src3, dst3, zeros)


@functools.partial(jax.jit, static_argnames=("n_chunks", "n_pad"))
def _sc_layer(ylo, yhi, src3, dst3, zeros, n_chunks, n_pad):
    n, h = ylo.shape
    rows_per_tile = n_pad // NS
    cmax = src3.shape[1]
    ch = src3.shape[2]
    mesh = plsc.VectorSubcoreMesh(core_axis_name="c", subcore_axis_name="s")

    out_t = jax.ShapeDtypeStruct((NC, n_pad, h), jnp.float32)

    @functools.partial(
        pl.kernel,
        out_type=(out_t, out_t),
        mesh=mesh,
        scratch_types=[
            pltpu.VMEM((cmax // 2, ch), jnp.int32),
            pltpu.VMEM((cmax // 2, ch), jnp.int32),
            pltpu.VMEM((ch, h), jnp.float32),
            pltpu.VMEM_SHARED((n_pad, h), jnp.float32),
            pltpu.VMEM_SHARED((n_pad, h), jnp.float32),
            pltpu.SemaphoreType.DMA,
        ],
        compiler_params=pltpu.CompilerParams(use_tc_tiling_on_sc=False),
    )
    def sc_kernel(ylo_hbm, yhi_hbm, src_hbm, dst_hbm, zeros_hbm,
                  alo_hbm, ahi_hbm,
                  src_v, dst_v, rows_v, y_sh, acc_sh, gsem):
        cid = lax.axis_index("c")
        sid = lax.axis_index("s")
        wid = sid * NC + cid
        rows = pl.ds(sid * rows_per_tile, rows_per_tile)
        n_half = n_chunks // 2

        def body(j, carry):
            pltpu.async_copy(y_sh.at[src_v.at[j]], rows_v, gsem).wait()
            pltpu.sync_copy(rows_v, acc_sh.at[dst_v.at[j]], add=True)
            return carry

        for y_hbm, out_hbm in ((ylo_hbm, alo_hbm), (yhi_hbm, ahi_hbm)):
            pltpu.sync_copy(y_hbm.at[rows], y_sh.at[rows])
            pltpu.sync_copy(zeros_hbm, acc_sh.at[rows])
            plsc.subcore_barrier()
            for base in (0, n_half):
                pltpu.sync_copy(src_hbm.at[wid, pl.ds(base, n_half)], src_v)
                pltpu.sync_copy(dst_hbm.at[wid, pl.ds(base, n_half)], dst_v)
                lax.fori_loop(0, n_half, body, 0)
            plsc.subcore_barrier()
            pltpu.sync_copy(acc_sh.at[rows], out_hbm.at[cid, rows])

    return sc_kernel(ylo, yhi, src3, dst3, zeros)


_BN = 632


def _tc_matmul2(x, w):
    n, d = x.shape
    h = w.shape[1]
    hh = h // 2

    def body(x_ref, w_ref, o1_ref, o2_ref):
        t = jnp.dot(x_ref[...], w_ref[...], preferred_element_type=jnp.float32)
        o1_ref[...] = t[:, :hh]
        o2_ref[...] = t[:, hh:]

    return pl.pallas_call(
        body,
        grid=(n // _BN,),
        in_specs=[pl.BlockSpec((_BN, d), lambda i: (i, 0)),
                  pl.BlockSpec((d, h), lambda i: (0, 0))],
        out_specs=[pl.BlockSpec((_BN, hh), lambda i: (i, 0)),
                   pl.BlockSpec((_BN, hh), lambda i: (i, 0))],
        out_shape=[jax.ShapeDtypeStruct((n, hh), jnp.float32),
                   jax.ShapeDtypeStruct((n, hh), jnp.float32)],
    )(x, w)


def _tc_fuse3(ylo, yhi, alo0, alo1, ahi0, ahi1, b, w):
    n, hh = ylo.shape
    h = w.shape[1]

    def body(ylo_ref, yhi_ref, alo0_ref, alo1_ref, ahi0_ref, ahi1_ref,
             b_ref, w_ref, o1_ref, o2_ref):
        zlo = ylo_ref[...] + alo0_ref[...] + alo1_ref[...] + b_ref[:, :hh]
        zhi = yhi_ref[...] + ahi0_ref[...] + ahi1_ref[...] + b_ref[:, hh:]
        z = jnp.maximum(jnp.concatenate([zlo, zhi], axis=1), 0.0)
        t = jnp.dot(z, w_ref[...], preferred_element_type=jnp.float32)
        o1_ref[...] = t[:, :hh]
        o2_ref[...] = t[:, hh:]

    hspec = pl.BlockSpec((_BN, hh), lambda i: (i, 0))
    return pl.pallas_call(
        body,
        grid=(n // _BN,),
        in_specs=[hspec, hspec, hspec, hspec, hspec, hspec,
                  pl.BlockSpec((1, 2 * hh), lambda i: (0, 0)),
                  pl.BlockSpec((2 * hh, h), lambda i: (0, 0))],
        out_specs=[hspec, hspec],
        out_shape=[jax.ShapeDtypeStruct((n, hh), jnp.float32),
                   jax.ShapeDtypeStruct((n, hh), jnp.float32)],
    )(ylo, yhi, alo0, alo1, ahi0, ahi1, b, w)


def _tc_fuse4(ylo, yhi, alo0, alo1, ahi0, ahi1, b, w3, wl):
    n, hh = ylo.shape
    l = wl.shape[1]

    def body(ylo_ref, yhi_ref, alo0_ref, alo1_ref, ahi0_ref, ahi1_ref,
             b_ref, w3_ref, wl_ref, o_ref):
        zlo = ylo_ref[...] + alo0_ref[...] + alo1_ref[...] + b_ref[:, :hh]
        zhi = yhi_ref[...] + ahi0_ref[...] + ahi1_ref[...] + b_ref[:, hh:]
        z = jnp.maximum(jnp.concatenate([zlo, zhi], axis=1), 0.0)
        w = jnp.dot(w3_ref[...], wl_ref[...], preferred_element_type=jnp.float32)
        o_ref[...] = jnp.dot(z, w, preferred_element_type=jnp.float32)

    hspec = pl.BlockSpec((_BN, hh), lambda i: (i, 0))
    return pl.pallas_call(
        body,
        grid=(n // _BN,),
        in_specs=[hspec, hspec, hspec, hspec, hspec, hspec,
                  pl.BlockSpec((1, 2 * hh), lambda i: (0, 0)),
                  pl.BlockSpec((2 * hh, l), lambda i: (0, 0)),
                  pl.BlockSpec((l, l), lambda i: (0, 0))],
        out_specs=pl.BlockSpec((_BN, l), lambda i: (i, 0)),
        out_shape=jax.ShapeDtypeStruct((n, l), jnp.float32),
    )(ylo, yhi, alo0, alo1, ahi0, ahi1, b, w3, wl)


def _tc_final(y, a0, a1, b3, wl, bl):
    n, l = y.shape

    def body(y_ref, a0_ref, a1_ref, b3_ref, wl_ref, bl_ref, o_ref):
        bp = jnp.dot(b3_ref[...], wl_ref[...],
                     preferred_element_type=jnp.float32) + bl_ref[...]
        o_ref[...] = y_ref[...] + a0_ref[...] + a1_ref[...] + bp

    return pl.pallas_call(
        body,
        grid=(n // _BN,),
        in_specs=[pl.BlockSpec((_BN, l), lambda i: (i, 0)),
                  pl.BlockSpec((_BN, l), lambda i: (i, 0)),
                  pl.BlockSpec((_BN, l), lambda i: (i, 0)),
                  pl.BlockSpec((1, l), lambda i: (0, 0)),
                  pl.BlockSpec((l, l), lambda i: (0, 0)),
                  pl.BlockSpec((1, l), lambda i: (0, 0))],
        out_specs=pl.BlockSpec((_BN, l), lambda i: (i, 0)),
        out_shape=jax.ShapeDtypeStruct((n, l), jnp.float32),
    )(y, a0, a1, b3, wl, bl)


def kernel(x, edge_index, batch, W1, b1, W2, b2, W3, b3, Wl, bl):
    n, d = x.shape
    e = edge_index.shape[1]
    src = edge_index[0]
    dst = edge_index[1]

    per_tile = -(-e // NW)
    per_tile = -(-per_tile // (2 * CH)) * (2 * CH)
    n_chunks = per_tile // CH
    e_pad = NW * per_tile
    n_pad = -(-n // (NS * 8)) * (NS * 8)
    src_p = jnp.concatenate([src, jnp.zeros((e_pad - e,), jnp.int32)])
    dst_p = jnp.concatenate([dst, jnp.full((e_pad - e,), n, jnp.int32)])
    src3 = src_p.reshape(NW, n_chunks, CH)
    dst3 = dst_p.reshape(NW, n_chunks, CH)

    x_p = jnp.concatenate([x, jnp.zeros((n_pad - n, d), jnp.float32)])

    rows_per_tile = n_pad // NS
    zeros_hh = jnp.zeros((rows_per_tile, W1.shape[1] // 2), jnp.float32)
    zeros_l = jnp.zeros((rows_per_tile, Wl.shape[0]), jnp.float32)

    b1r = b1.reshape(1, -1)
    b2r = b2.reshape(1, -1)
    b3r = b3.reshape(1, -1)
    blr = bl.reshape(1, -1)

    y1lo, y1hi = _tc_matmul2(x_p, W1)
    a1lo, a1hi = _sc_layer(y1lo, y1hi, src3, dst3, zeros_hh,
                           n_chunks=n_chunks, n_pad=n_pad)
    y2lo, y2hi = _tc_fuse3(y1lo, y1hi, a1lo[0], a1lo[1], a1hi[0], a1hi[1],
                           b1r, W2)
    a2lo, a2hi = _sc_layer(y2lo, y2hi, src3, dst3, zeros_hh,
                           n_chunks=n_chunks, n_pad=n_pad)
    y3 = _tc_fuse4(y2lo, y2hi, a2lo[0], a2lo[1], a2hi[0], a2hi[1],
                   b2r, W3, Wl)
    a3 = _sc_half(y3, src3, dst3, zeros_l, n_chunks=n_chunks, n_pad=n_pad)
    return _tc_final(y3, a3[0], a3[1], b3r, Wl, blr)[:n]

# --- scband reference (transcript-rebuilt; emitter-appended) ---
"""Pipeline reference for scband-variational-encoder-1898375544951 (READ-ONLY COPY).

The authoritative reference and input builder live on the scoring server;
editing this copy changes nothing except your own understanding.
"""

import jax, jax.numpy as jnp
import numpy as np

N, E, D, H, L = 10000, 320000, 128, 128, 16


def setup_inputs(seed: int = 0):
    key = jax.random.key(seed)
    ks = jax.random.split(key, 10)
    x = jax.random.normal(ks[0], (N, D), dtype=jnp.float32)
    edge_index = jax.random.randint(ks[1], (2, E), 0, N, dtype=jnp.int32)
    batch = jnp.zeros((N,), dtype=jnp.int32)
    W1 = jax.random.normal(ks[2], (D, H), dtype=jnp.float32) / np.sqrt(D)
    b1 = jnp.zeros((H,), dtype=jnp.float32)
    W2 = jax.random.normal(ks[3], (H, H), dtype=jnp.float32) / np.sqrt(H)
    b2 = jnp.zeros((H,), dtype=jnp.float32)
    W3 = jax.random.normal(ks[4], (H, L), dtype=jnp.float32) / np.sqrt(H)
    b3 = jnp.zeros((L,), dtype=jnp.float32)
    Wl = jax.random.normal(ks[5], (L, L), dtype=jnp.float32) / np.sqrt(L)
    bl = jnp.zeros((L,), dtype=jnp.float32)
    return {"x": x, "edge_index": edge_index, "batch": batch,
            "W1": W1, "b1": b1, "W2": W2, "b2": b2, "W3": W3, "b3": b3,
            "Wl": Wl, "bl": bl}


def _gconv(x, edge_index, W, b):
    # GraphConv-style message passing: sum-aggregate neighbor features (scatter-add)
    # plus self-loop, then dense transform.
    src = edge_index[0]
    dst = edge_index[1]
    msgs = jnp.take(x, src, axis=0)                 # gather
    agg = jnp.zeros_like(x).at[dst].add(msgs)       # scatter-add
    return (x + agg) @ W + b


def reference(x, edge_index, batch, W1, b1, W2, b2, W3, b3, Wl, bl):
    h = jax.nn.relu(_gconv(x, edge_index, W1, b1))   # block1
    h = jax.nn.relu(_gconv(h, edge_index, W2, b2))   # block2
    h = _gconv(h, edge_index, W3, b3)                # block3 -> latent_dims=16
    h = h @ Wl + bl                                  # final Linear(16, 16), applied per node
    return h

if __name__ == "__main__":
    import jax
    _d = setup_inputs()
    print(jax.jit(kernel)(*tuple(_d.values())))

</pallas_src>

<mosaic_0001>
#map = affine_map<(d0, d1) -> (0, 0)>
#map1 = affine_map<(d0, d1) -> (0, 0, 0)>
module attributes {stable_mosaic.version = 14 : i64} {
  func.func @sc_kernel(%arg0: i32, %arg1: i32, %arg2: memref<10112x64xf32, #tpu.memory_space<hbm>>, %arg3: memref<10112x64xf32, #tpu.memory_space<hbm>>, %arg4: memref<32x20x512xi32, #tpu.memory_space<hbm>>, %arg5: memref<32x20x512xi32, #tpu.memory_space<hbm>>, %arg6: memref<632x64xf32, #tpu.memory_space<hbm>>, %arg7: memref<2x10112x64xf32, #tpu.memory_space<hbm>>, %arg8: memref<2x10112x64xf32, #tpu.memory_space<hbm>>, %arg9: memref<10x512xi32, #tpu.memory_space<vmem>>, %arg10: memref<10x512xi32, #tpu.memory_space<vmem>>, %arg11: memref<512x64xf32, #tpu.memory_space<vmem>>, %arg12: memref<10112x64xf32, #tpu.memory_space<vmem_shared>>, %arg13: memref<10112x64xf32, #tpu.memory_space<vmem_shared>>, %arg14: memref<!tpu.dma_semaphore, #tpu.memory_space<semaphore_mem>>) attributes {dimension_semantics = [#tpu.dimension_semantics<core_parallel>, #tpu.dimension_semantics<subcore_parallel>], iteration_bounds = array<i64: 2, 16>, scalar_prefetch = 0 : i64, scratch_operands = 6 : i64, tpu.core_type = #tpu.core_type<sc_vector_subcore>, window_params = [{transform_indices = #map}, {transform_indices = #map}, {transform_indices = #map1}, {transform_indices = #map1}, {transform_indices = #map}, {transform_indices = #map1}, {transform_indices = #map1}]} {
    %mul3A = arith.constant 2 : i32
    %mul3A_0 = arith.muli %arg1, %mul3A : i32
    %add3A = arith.addi %mul3A_0, %arg0 : i32
    %mul3A_1 = arith.constant 632 : i32
    %mul3A_2 = arith.muli %arg1, %mul3A_1 : i32
    "tpu.region"() ({
      %run_scoped3A = tpu.sem_alloc : memref<!tpu.dma_semaphore, #tpu.memory_space<semaphore_mem>>
      %dma_start3A = arith.constant 0 : i32
      %dma_start3A_29 = tpu.memref_slice %arg12[%mul3A_2, %dma_start3A] : memref<10112x64xf32, #tpu.memory_space<vmem_shared>> -> memref<632x64xf32, #tpu.memory_space<vmem_shared>>
      %dma_start3A_30 = arith.constant 0 : i32
      %dma_start3A_31 = tpu.memref_slice %arg2[%mul3A_2, %dma_start3A_30] : memref<10112x64xf32, #tpu.memory_space<hbm>> -> memref<632x64xf32, #tpu.memory_space<hbm>>
      tpu.enqueue_dma source(%dma_start3A_31 : memref<632x64xf32, #tpu.memory_space<hbm>>) target(%dma_start3A_29 : memref<632x64xf32, #tpu.memory_space<vmem_shared>>) target_semaphore(%run_scoped3A : memref<!tpu.dma_semaphore, #tpu.memory_space<semaphore_mem>>)
      %dma_wait3A = arith.constant 0 : i32
      %dma_wait3A_32 = tpu.memref_slice %arg12[%mul3A_2, %dma_wait3A] : memref<10112x64xf32, #tpu.memory_space<vmem_shared>> -> memref<632x64xf32, #tpu.memory_space<vmem_shared>>
      %dma_wait3A_33 = arith.constant 0 : i32
      %dma_wait3A_34 = tpu.memref_slice %arg2[%mul3A_2, %dma_wait3A_33] : memref<10112x64xf32, #tpu.memory_space<hbm>> -> memref<632x64xf32, #tpu.memory_space<hbm>>
      tpu.wait_dma2 semaphore(%run_scoped3A : memref<!tpu.dma_semaphore, #tpu.memory_space<semaphore_mem>>) src(%dma_wait3A_34 : memref<632x64xf32, #tpu.memory_space<hbm>>) dst(%dma_wait3A_32 : memref<632x64xf32, #tpu.memory_space<vmem_shared>>)
      tpu.yield
    }) : () -> ()
    "tpu.region"() ({
      %run_scoped3A = tpu.sem_alloc : memref<!tpu.dma_semaphore, #tpu.memory_space<semaphore_mem>>
      %dma_start3A = arith.constant 0 : i32
      %dma_start3A_29 = tpu.memref_slice %arg13[%mul3A_2, %dma_start3A] : memref<10112x64xf32, #tpu.memory_space<vmem_shared>> -> memref<632x64xf32, #tpu.memory_space<vmem_shared>>
      tpu.enqueue_dma source(%arg6 : memref<632x64xf32, #tpu.memory_space<hbm>>) target(%dma_start3A_29 : memref<632x64xf32, #tpu.memory_space<vmem_shared>>) target_semaphore(%run_scoped3A : memref<!tpu.dma_semaphore, #tpu.memory_space<semaphore_mem>>)
      %dma_wait3A = arith.constant 0 : i32
      %dma_wait3A_30 = tpu.memref_slice %arg13[%mul3A_2, %dma_wait3A] : memref<10112x64xf32, #tpu.memory_space<vmem_shared>> -> memref<632x64xf32, #tpu.memory_space<vmem_shared>>
      tpu.wait_dma2 semaphore(%run_scoped3A : memref<!tpu.dma_semaphore, #tpu.memory_space<semaphore_mem>>) src(%arg6 : memref<632x64xf32, #tpu.memory_space<hbm>>) dst(%dma_wait3A_30 : memref<632x64xf32, #tpu.memory_space<vmem_shared>>)
      tpu.yield
    }) : () -> ()
    %barrier3A = arith.constant 0 : index
    tpu.barrier barrier_id(%barrier3A)
    "tpu.region"() ({
      %run_scoped3A = tpu.sem_alloc : memref<!tpu.dma_semaphore, #tpu.memory_space<semaphore_mem>>
      %dma_start3A = arith.constant 0 : i32
      %dma_start3A_29 = arith.constant 0 : i32
      %dma_start3A_30 = tpu.memref_slice %arg4[%add3A, %dma_start3A, %dma_start3A_29] : memref<32x20x512xi32, #tpu.memory_space<hbm>> -> memref<1x10x512xi32, #tpu.memory_space<hbm>>
      %dma_start3A_31 = tpu.memref_squeeze %dma_start3A_30 : memref<1x10x512xi32, #tpu.memory_space<hbm>> -> memref<10x512xi32, #tpu.memory_space<hbm>>
      %dma_start3A_32 = arith.constant 0 : i32
      %dma_start3A_33 = arith.constant 0 : i32
      %dma_start3A_34 = tpu.memref_slice %arg4[%add3A, %dma_start3A_32, %dma_start3A_33] : memref<32x20x512xi32, #tpu.memory_space<hbm>> -> memref<1x10x512xi32, #tpu.memory_space<hbm>>
      %dma_start3A_35 = tpu.memref_squeeze %dma_start3A_34 : memref<1x10x512xi32, #tpu.memory_space<hbm>> -> memref<10x512xi32, #tpu.memory_space<hbm>>
      tpu.enqueue_dma source(%dma_start3A_35 : memref<10x512xi32, #tpu.memory_space<hbm>>) target(%arg9 : memref<10x512xi32, #tpu.memory_space<vmem>>) target_semaphore(%run_scoped3A : memref<!tpu.dma_semaphore, #tpu.memory_space<semaphore_mem>>)
      %dma_wait3A = arith.constant 0 : i32
      %dma_wait3A_36 = arith.constant 0 : i32
      %dma_wait3A_37 = tpu.memref_slice %arg4[%add3A, %dma_wait3A, %dma_wait3A_36] : memref<32x20x512xi32, #tpu.memory_space<hbm>> -> memref<1x10x512xi32, #tpu.memory_space<hbm>>
      %dma_wait3A_38 = tpu.memref_squeeze %dma_wait3A_37 : memref<1x10x512xi32, #tpu.memory_space<hbm>> -> memref<10x512xi32, #tpu.memory_space<hbm>>
      %dma_wait3A_39 = arith.constant 0 : i32
      %dma_wait3A_40 = arith.constant 0 : i32
      %dma_wait3A_41 = tpu.memref_slice %arg4[%add3A, %dma_wait3A_39, %dma_wait3A_40] : memref<32x20x512xi32, #tpu.memory_space<hbm>> -> memref<1x10x512xi32, #tpu.memory_space<hbm>>
      %dma_wait3A_42 = tpu.memref_squeeze %dma_wait3A_41 : memref<1x10x512xi32, #tpu.memory_space<hbm>> -> memref<10x512xi32, #tpu.memory_space<hbm>>
      tpu.wait_dma2 semaphore(%run_scoped3A : memref<!tpu.dma_semaphore, #tpu.memory_space<semaphore_mem>>) src(%dma_wait3A_42 : memref<10x512xi32, #tpu.memory_space<hbm>>) dst(%arg9 : memref<10x512xi32, #tpu.memory_space<vmem>>)
      tpu.yield
    }) : () -> ()
    "tpu.region"() ({
      %run_scoped3A = tpu.sem_alloc : memref<!tpu.dma_semaphore, #tpu.memory_space<semaphore_mem>>
      %dma_start3A = arith.constant 0 : i32
      %dma_start3A_29 = arith.constant 0 : i32
      %dma_start3A_30 = tpu.memref_slice %arg5[%add3A, %dma_start3A, %dma_start3A_29] : memref<32x20x512xi32, #tpu.memory_space<hbm>> -> memref<1x10x512xi32, #tpu.memory_space<hbm>>
      %dma_start3A_31 = tpu.memref_squeeze %dma_start3A_30 : memref<1x10x512xi32, #tpu.memory_space<hbm>> -> memref<10x512xi32, #tpu.memory_space<hbm>>
      %dma_start3A_32 = arith.constant 0 : i32
      %dma_start3A_33 = arith.constant 0 : i32
      %dma_start3A_34 = tpu.memref_slice %arg5[%add3A, %dma_start3A_32, %dma_start3A_33] : memref<32x20x512xi32, #tpu.memory_space<hbm>> -> memref<1x10x512xi32, #tpu.memory_space<hbm>>
      %dma_start3A_35 = tpu.memref_squeeze %dma_start3A_34 : memref<1x10x512xi32, #tpu.memory_space<hbm>> -> memref<10x512xi32, #tpu.memory_space<hbm>>
      tpu.enqueue_dma source(%dma_start3A_35 : memref<10x512xi32, #tpu.memory_space<hbm>>) target(%arg10 : memref<10x512xi32, #tpu.memory_space<vmem>>) target_semaphore(%run_scoped3A : memref<!tpu.dma_semaphore, #tpu.memory_space<semaphore_mem>>)
      %dma_wait3A = arith.constant 0 : i32
      %dma_wait3A_36 = arith.constant 0 : i32
      %dma_wait3A_37 = tpu.memref_slice %arg5[%add3A, %dma_wait3A, %dma_wait3A_36] : memref<32x20x512xi32, #tpu.memory_space<hbm>> -> memref<1x10x512xi32, #tpu.memory_space<hbm>>
      %dma_wait3A_38 = tpu.memref_squeeze %dma_wait3A_37 : memref<1x10x512xi32, #tpu.memory_space<hbm>> -> memref<10x512xi32, #tpu.memory_space<hbm>>
      %dma_wait3A_39 = arith.constant 0 : i32
      %dma_wait3A_40 = arith.constant 0 : i32
      %dma_wait3A_41 = tpu.memref_slice %arg5[%add3A, %dma_wait3A_39, %dma_wait3A_40] : memref<32x20x512xi32, #tpu.memory_space<hbm>> -> memref<1x10x512xi32, #tpu.memory_space<hbm>>
      %dma_wait3A_42 = tpu.memref_squeeze %dma_wait3A_41 : memref<1x10x512xi32, #tpu.memory_space<hbm>> -> memref<10x512xi32, #tpu.memory_space<hbm>>
      tpu.wait_dma2 semaphore(%run_scoped3A : memref<!tpu.dma_semaphore, #tpu.memory_space<semaphore_mem>>) src(%dma_wait3A_42 : memref<10x512xi32, #tpu.memory_space<hbm>>) dst(%arg10 : memref<10x512xi32, #tpu.memory_space<vmem>>)
      tpu.yield
    }) : () -> ()
    %scan3A = arith.constant 0 : i32
    %scan3A_3 = arith.constant 0 : i32
    %scan3A_4 = arith.constant 10 : i32
    %scan3A_5 = arith.addi %scan3A_3, %scan3A_4 : i32
    %scan3A_6 = arith.constant 1 : i32
    scf.for %scan3A_29 = %scan3A_3 to %scan3A_5 step %scan3A_6  : i32 {
      %dma_start3A = arith.constant 0 : i32
      %dma_start3A_30 = tpu.memref_slice %arg9[%scan3A_29, %dma_start3A] : memref<10x512xi32, #tpu.memory_space<vmem>> -> memref<1x512xi32, #tpu.memory_space<vmem>>
      %dma_start3A_31 = tpu.memref_squeeze %dma_start3A_30 : memref<1x512xi32, #tpu.memory_space<vmem>> -> memref<512xi32, #tpu.memory_space<vmem>>
      %dma_start3A_32 = arith.constant 0 : i32
      %dma_start3A_33 = arith.constant 0 : i32
      %dma_start3A_34 = tpu.memref_slice %arg12[%dma_start3A_32, %dma_start3A_33] : memref<10112x64xf32, #tpu.memory_space<vmem_shared>> -> memref<10112x64xf32, #tpu.memory_space<vmem_shared>>
      tpu.enqueue_indirect_dma source(%dma_start3A_34 : memref<10112x64xf32, #tpu.memory_space<vmem_shared>>) target(%arg11 : memref<512x64xf32, #tpu.memory_space<vmem>>) offsets(%dma_start3A_31 : memref<512xi32, #tpu.memory_space<vmem>>) semaphore(%arg14 : memref<!tpu.dma_semaphore, #tpu.memory_space<semaphore_mem>>)
      %dma_wait3A = arith.constant 0 : i32
      %dma_wait3A_35 = tpu.memref_slice %arg9[%scan3A_29, %dma_wait3A] : memref<10x512xi32, #tpu.memory_space<vmem>> -> memref<1x512xi32, #tpu.memory_space<vmem>>
      %dma_wait3A_36 = tpu.memref_squeeze %dma_wait3A_35 : memref<1x512xi32, #tpu.memory_space<vmem>> -> memref<512xi32, #tpu.memory_space<vmem>>
      %dma_wait3A_37 = arith.constant 0 : i32
      %dma_wait3A_38 = arith.constant 0 : i32
      %dma_wait3A_39 = tpu.memref_slice %arg12[%dma_wait3A_37, %dma_wait3A_38] : memref<10112x64xf32, #tpu.memory_space<vmem_shared>> -> memref<10112x64xf32, #tpu.memory_space<vmem_shared>>
      tpu.wait_indirect_dma semaphore(%arg14 : memref<!tpu.dma_semaphore, #tpu.memory_space<semaphore_mem>>) src(%dma_wait3A_39 : memref<10112x64xf32, #tpu.memory_space<vmem_shared>>) dst(%arg11 : memref<512x64xf32, #tpu.memory_space<vmem>>)
      "tpu.region"() ({
        %run_scoped3A = tpu.sem_alloc : memref<!tpu.dma_semaphore, #tpu.memory_space<semaphore_mem>>
        %dma_start3A_40 = arith.constant 0 : i32
        %dma_start3A_41 = tpu.memref_slice %arg10[%scan3A_29, %dma_start3A_40] : memref<10x512xi32, #tpu.memory_space<vmem>> -> memref<1x512xi32, #tpu.memory_space<vmem>>
        %dma_start3A_42 = tpu.memref_squeeze %dma_start3A_41 : memref<1x512xi32, #tpu.memory_space<vmem>> -> memref<512xi32, #tpu.memory_space<vmem>>
        %dma_start3A_43 = arith.constant 0 : i32
        %dma_start3A_44 = arith.constant 0 : i32
        %dma_start3A_45 = tpu.memref_slice %arg13[%dma_start3A_43, %dma_start3A_44] : memref<10112x64xf32, #tpu.memory_space<vmem_shared>> -> memref<10112x64xf32, #tpu.memory_space<vmem_shared>>
        tpu.enqueue_indirect_dma source(%arg11 : memref<512x64xf32, #tpu.memory_space<vmem>>) target(%dma_start3A_45 : memref<10112x64xf32, #tpu.memory_space<vmem_shared>>) offsets(%dma_start3A_42 : memref<512xi32, #tpu.memory_space<vmem>>) semaphore(%run_scoped3A : memref<!tpu.dma_semaphore, #tpu.memory_space<semaphore_mem>>) {add = true}
        %dma_wait3A_46 = arith.constant 0 : i32
        %dma_wait3A_47 = tpu.memref_slice %arg10[%scan3A_29, %dma_wait3A_46] : memref<10x512xi32, #tpu.memory_space<vmem>> -> memref<1x512xi32, #tpu.memory_space<vmem>>
        %dma_wait3A_48 = tpu.memref_squeeze %dma_wait3A_47 : memref<1x512xi32, #tpu.memory_space<vmem>> -> memref<512xi32, #tpu.memory_space<vmem>>
        %dma_wait3A_49 = arith.constant 0 : i32
        %dma_wait3A_50 = arith.constant 0 : i32
        %dma_wait3A_51 = tpu.memref_slice %arg13[%dma_wait3A_49, %dma_wait3A_50] : memref<10112x64xf32, #tpu.memory_space<vmem_shared>> -> memref<10112x64xf32, #tpu.memory_space<vmem_shared>>
        tpu.wait_indirect_dma semaphore(%run_scoped3A : memref<!tpu.dma_semaphore, #tpu.memory_space<semaphore_mem>>) src(%arg11 : memref<512x64xf32, #tpu.memory_space<vmem>>) dst(%dma_wait3A_51 : memref<10112x64xf32, #tpu.memory_space<vmem_shared>>)
        tpu.yield
      }) : () -> ()
    }
    %scan3A_7 = arith.constant 10 : i32
    "tpu.region"() ({
      %run_scoped3A = tpu.sem_alloc : memref<!tpu.dma_semaphore, #tpu.memory_space<semaphore_mem>>
      %dma_start3A = arith.constant 10 : i32
      %dma_start3A_29 = arith.constant 0 : i32
      %dma_start3A_30 = tpu.memref_slice %arg4[%add3A, %dma_start3A, %dma_start3A_29] : memref<32x20x512xi32, #tpu.memory_space<hbm>> -> memref<1x10x512xi32, #tpu.memory_space<hbm>>
      %dma_start3A_31 = tpu.memref_squeeze %dma_start3A_30 : memref<1x10x512xi32, #tpu.memory_space<hbm>> -> memref<10x512xi32, #tpu.memory_space<hbm>>
      %dma_start3A_32 = arith.constant 10 : i32
      %dma_start3A_33 = arith.constant 0 : i32
      %dma_start3A_34 = tpu.memref_slice %arg4[%add3A, %dma_start3A_32, %dma_start3A_33] : memref<32x20x512xi32, #tpu.memory_space<hbm>> -> memref<1x10x512xi32, #tpu.memory_space<hbm>>
      %dma_start3A_35 = tpu.memref_squeeze %dma_start3A_34 : memref<1x10x512xi32, #tpu.memory_space<hbm>> -> memref<10x512xi32, #tpu.memory_space<hbm>>
      tpu.enqueue_dma source(%dma_start3A_35 : memref<10x512xi32, #tpu.memory_space<hbm>>) target(%arg9 : memref<10x512xi32, #tpu.memory_space<vmem>>) target_semaphore(%run_scoped3A : memref<!tpu.dma_semaphore, #tpu.memory_space<semaphore_mem>>)
      %dma_wait3A = arith.constant 10 : i32
      %dma_wait3A_36 = arith.constant 0 : i32
      %dma_wait3A_37 = tpu.memref_slice %arg4[%add3A, %dma_wait3A, %dma_wait3A_36] : memref<32x20x512xi32, #tpu.memory_space<hbm>> -> memref<1x10x512xi32, #tpu.memory_space<hbm>>
      %dma_wait3A_38 = tpu.memref_squeeze %dma_wait3A_37 : memref<1x10x512xi32, #tpu.memory_space<hbm>> -> memref<10x512xi32, #tpu.memory_space<hbm>>
      %dma_wait3A_39 = arith.constant 10 : i32
      %dma_wait3A_40 = arith.constant 0 : i32
      %dma_wait3A_41 = tpu.memref_slice %arg4[%add3A, %dma_wait3A_39, %dma_wait3A_40] : memref<32x20x512xi32, #tpu.memory_space<hbm>> -> memref<1x10x512xi32, #tpu.memory_space<hbm>>
      %dma_wait3A_42 = tpu.memref_squeeze %dma_wait3A_41 : memref<1x10x512xi32, #tpu.memory_space<hbm>> -> memref<10x512xi32, #tpu.memory_space<hbm>>
      tpu.wait_dma2 semaphore(%run_scoped3A : memref<!tpu.dma_semaphore, #tpu.memory_space<semaphore_mem>>) src(%dma_wait3A_42 : memref<10x512xi32, #tpu.memory_space<hbm>>) dst(%arg9 : memref<10x512xi32, #tpu.memory_space<vmem>>)
      tpu.yield
    }) : () -> ()
    "tpu.region"() ({
      %run_scoped3A = tpu.sem_alloc : memref<!tpu.dma_semaphore, #tpu.memory_space<semaphore_mem>>
      %dma_start3A = arith.constant 10 : i32
      %dma_start3A_29 = arith.constant 0 : i32
      %dma_start3A_30 = tpu.memref_slice %arg5[%add3A, %dma_start3A, %dma_start3A_29] : memref<32x20x512xi32, #tpu.memory_space<hbm>> -> memref<1x10x512xi32, #tpu.memory_space<hbm>>
      %dma_start3A_31 = tpu.memref_squeeze %dma_start3A_30 : memref<1x10x512xi32, #tpu.memory_space<hbm>> -> memref<10x512xi32, #tpu.memory_space<hbm>>
      %dma_start3A_32 = arith.constant 10 : i32
      %dma_start3A_33 = arith.constant 0 : i32
      %dma_start3A_34 = tpu.memref_slice %arg5[%add3A, %dma_start3A_32, %dma_start3A_33] : memref<32x20x512xi32, #tpu.memory_space<hbm>> -> memref<1x10x512xi32, #tpu.memory_space<hbm>>
      %dma_start3A_35 = tpu.memref_squeeze %dma_start3A_34 : memref<1x10x512xi32, #tpu.memory_space<hbm>> -> memref<10x512xi32, #tpu.memory_space<hbm>>
      tpu.enqueue_dma source(%dma_start3A_35 : memref<10x512xi32, #tpu.memory_space<hbm>>) target(%arg10 : memref<10x512xi32, #tpu.memory_space<vmem>>) target_semaphore(%run_scoped3A : memref<!tpu.dma_semaphore, #tpu.memory_space<semaphore_mem>>)
      %dma_wait3A = arith.constant 10 : i32
      %dma_wait3A_36 = arith.constant 0 : i32
      %dma_wait3A_37 = tpu.memref_slice %arg5[%add3A, %dma_wait3A, %dma_wait3A_36] : memref<32x20x512xi32, #tpu.memory_space<hbm>> -> memref<1x10x512xi32, #tpu.memory_space<hbm>>
      %dma_wait3A_38 = tpu.memref_squeeze %dma_wait3A_37 : memref<1x10x512xi32, #tpu.memory_space<hbm>> -> memref<10x512xi32, #tpu.memory_space<hbm>>
      %dma_wait3A_39 = arith.constant 10 : i32
      %dma_wait3A_40 = arith.constant 0 : i32
      %dma_wait3A_41 = tpu.memref_slice %arg5[%add3A, %dma_wait3A_39, %dma_wait3A_40] : memref<32x20x512xi32, #tpu.memory_space<hbm>> -> memref<1x10x512xi32, #tpu.memory_space<hbm>>
      %dma_wait3A_42 = tpu.memref_squeeze %dma_wait3A_41 : memref<1x10x512xi32, #tpu.memory_space<hbm>> -> memref<10x512xi32, #tpu.memory_space<hbm>>
      tpu.wait_dma2 semaphore(%run_scoped3A : memref<!tpu.dma_semaphore, #tpu.memory_space<semaphore_mem>>) src(%dma_wait3A_42 : memref<10x512xi32, #tpu.memory_space<hbm>>) dst(%arg10 : memref<10x512xi32, #tpu.memory_space<vmem>>)
      tpu.yield
    }) : () -> ()
    %scan3A_8 = arith.constant 0 : i32
    %scan3A_9 = arith.constant 0 : i32
    %scan3A_10 = arith.constant 10 : i32
    %scan3A_11 = arith.addi %scan3A_9, %scan3A_10 : i32
    %scan3A_12 = arith.constant 1 : i32
    scf.for %scan3A_29 = %scan3A_9 to %scan3A_11 step %scan3A_12  : i32 {
      %dma_start3A = arith.constant 0 : i32
      %dma_start3A_30 = tpu.memref_slice %arg9[%scan3A_29, %dma_start3A] : memref<10x512xi32, #tpu.memory_space<vmem>> -> memref<1x512xi32, #tpu.memory_space<vmem>>
      %dma_start3A_31 = tpu.memref_squeeze %dma_start3A_30 : memref<1x512xi32, #tpu.memory_space<vmem>> -> memref<512xi32, #tpu.memory_space<vmem>>
      %dma_start3A_32 = arith.constant 0 : i32
      %dma_start3A_33 = arith.constant 0 : i32
      %dma_start3A_34 = tpu.memref_slice %arg12[%dma_start3A_32, %dma_start3A_33] : memref<10112x64xf32, #tpu.memory_space<vmem_shared>> -> memref<10112x64xf32, #tpu.memory_space<vmem_shared>>
      tpu.enqueue_indirect_dma source(%dma_start3A_34 : memref<10112x64xf32, #tpu.memory_space<vmem_shared>>) target(%arg11 : memref<512x64xf32, #tpu.memory_space<vmem>>) offsets(%dma_start3A_31 : memref<512xi32, #tpu.memory_space<vmem>>) semaphore(%arg14 : memref<!tpu.dma_semaphore, #tpu.memory_space<semaphore_mem>>)
      %dma_wait3A = arith.constant 0 : i32
      %dma_wait3A_35 = tpu.memref_slice %arg9[%scan3A_29, %dma_wait3A] : memref<10x512xi32, #tpu.memory_space<vmem>> -> memref<1x512xi32, #tpu.memory_space<vmem>>
      %dma_wait3A_36 = tpu.memref_squeeze %dma_wait3A_35 : memref<1x512xi32, #tpu.memory_space<vmem>> -> memref<512xi32, #tpu.memory_space<vmem>>
      %dma_wait3A_37 = arith.constant 0 : i32
      %dma_wait3A_38 = arith.constant 0 : i32
      %dma_wait3A_39 = tpu.memref_slice %arg12[%dma_wait3A_37, %dma_wait3A_38] : memref<10112x64xf32, #tpu.memory_space<vmem_shared>> -> memref<10112x64xf32, #tpu.memory_space<vmem_shared>>
      tpu.wait_indirect_dma semaphore(%arg14 : memref<!tpu.dma_semaphore, #tpu.memory_space<semaphore_mem>>) src(%dma_wait3A_39 : memref<10112x64xf32, #tpu.memory_space<vmem_shared>>) dst(%arg11 : memref<512x64xf32, #tpu.memory_space<vmem>>)
      "tpu.region"() ({
        %run_scoped3A = tpu.sem_alloc : memref<!tpu.dma_semaphore, #tpu.memory_space<semaphore_mem>>
        %dma_start3A_40 = arith.constant 0 : i32
        %dma_start3A_41 = tpu.memref_slice %arg10[%scan3A_29, %dma_start3A_40] : memref<10x512xi32, #tpu.memory_space<vmem>> -> memref<1x512xi32, #tpu.memory_space<vmem>>
        %dma_start3A_42 = tpu.memref_squeeze %dma_start3A_41 : memref<1x512xi32, #tpu.memory_space<vmem>> -> memref<512xi32, #tpu.memory_space<vmem>>
        %dma_start3A_43 = arith.constant 0 : i32
        %dma_start3A_44 = arith.constant 0 : i32
        %dma_start3A_45 = tpu.memref_slice %arg13[%dma_start3A_43, %dma_start3A_44] : memref<10112x64xf32, #tpu.memory_space<vmem_shared>> -> memref<10112x64xf32, #tpu.memory_space<vmem_shared>>
        tpu.enqueue_indirect_dma source(%arg11 : memref<512x64xf32, #tpu.memory_space<vmem>>) target(%dma_start3A_45 : memref<10112x64xf32, #tpu.memory_space<vmem_shared>>) offsets(%dma_start3A_42 : memref<512xi32, #tpu.memory_space<vmem>>) semaphore(%run_scoped3A : memref<!tpu.dma_semaphore, #tpu.memory_space<semaphore_mem>>) {add = true}
        %dma_wait3A_46 = arith.constant 0 : i32
        %dma_wait3A_47 = tpu.memref_slice %arg10[%scan3A_29, %dma_wait3A_46] : memref<10x512xi32, #tpu.memory_space<vmem>> -> memref<1x512xi32, #tpu.memory_space<vmem>>
        %dma_wait3A_48 = tpu.memref_squeeze %dma_wait3A_47 : memref<1x512xi32, #tpu.memory_space<vmem>> -> memref<512xi32, #tpu.memory_space<vmem>>
        %dma_wait3A_49 = arith.constant 0 : i32
        %dma_wait3A_50 = arith.constant 0 : i32
        %dma_wait3A_51 = tpu.memref_slice %arg13[%dma_wait3A_49, %dma_wait3A_50] : memref<10112x64xf32, #tpu.memory_space<vmem_shared>> -> memref<10112x64xf32, #tpu.memory_space<vmem_shared>>
        tpu.wait_indirect_dma semaphore(%run_scoped3A : memref<!tpu.dma_semaphore, #tpu.memory_space<semaphore_mem>>) src(%arg11 : memref<512x64xf32, #tpu.memory_space<vmem>>) dst(%dma_wait3A_51 : memref<10112x64xf32, #tpu.memory_space<vmem_shared>>)
        tpu.yield
      }) : () -> ()
    }
    %scan3A_13 = arith.constant 10 : i32
    %barrier3A_14 = arith.constant 0 : index
    tpu.barrier barrier_id(%barrier3A_14)
    "tpu.region"() ({
      %run_scoped3A = tpu.sem_alloc : memref<!tpu.dma_semaphore, #tpu.memory_space<semaphore_mem>>
      %dma_start3A = arith.constant 0 : i32
      %dma_start3A_29 = tpu.memref_slice %arg7[%arg0, %mul3A_2, %dma_start3A] : memref<2x10112x64xf32, #tpu.memory_space<hbm>> -> memref<1x632x64xf32, #tpu.memory_space<hbm>>
      %dma_start3A_30 = tpu.memref_squeeze %dma_start3A_29 : memref<1x632x64xf32, #tpu.memory_space<hbm>> -> memref<632x64xf32, #tpu.memory_space<hbm>>
      %dma_start3A_31 = arith.constant 0 : i32
      %dma_start3A_32 = tpu.memref_slice %arg13[%mul3A_2, %dma_start3A_31] : memref<10112x64xf32, #tpu.memory_space<vmem_shared>> -> memref<632x64xf32, #tpu.memory_space<vmem_shared>>
      tpu.enqueue_dma source(%dma_start3A_32 : memref<632x64xf32, #tpu.memory_space<vmem_shared>>) target(%dma_start3A_30 : memref<632x64xf32, #tpu.memory_space<hbm>>) target_semaphore(%run_scoped3A : memref<!tpu.dma_semaphore, #tpu.memory_space<semaphore_mem>>)
      %dma_wait3A = arith.constant 0 : i32
      %dma_wait3A_33 = tpu.memref_slice %arg7[%arg0, %mul3A_2, %dma_wait3A] : memref<2x10112x64xf32, #tpu.memory_space<hbm>> -> memref<1x632x64xf32, #tpu.memory_space<hbm>>
      %dma_wait3A_34 = tpu.memref_squeeze %dma_wait3A_33 : memref<1x632x64xf32, #tpu.memory_space<hbm>> -> memref<632x64xf32, #tpu.memory_space<hbm>>
      %dma_wait3A_35 = arith.constant 0 : i32
      %dma_wait3A_36 = tpu.memref_slice %arg13[%mul3A_2, %dma_wait3A_35] : memref<10112x64xf32, #tpu.memory_space<vmem_shared>> -> memref<632x64xf32, #tpu.memory_space<vmem_shared>>
      tpu.wait_dma2 semaphore(%run_scoped3A : memref<!tpu.dma_semaphore, #tpu.memory_space<semaphore_mem>>) src(%dma_wait3A_36 : memref<632x64xf32, #tpu.memory_space<vmem_shared>>) dst(%dma_wait3A_34 : memref<632x64xf32, #tpu.memory_space<hbm>>)
      tpu.yield
    }) : () -> ()
    "tpu.region"() ({
      %run_scoped3A = tpu.sem_alloc : memref<!tpu.dma_semaphore, #tpu.memory_space<semaphore_mem>>
      %dma_start3A = arith.constant 0 : i32
      %dma_start3A_29 = tpu.memref_slice %arg12[%mul3A_2, %dma_start3A] : memref<10112x64xf32, #tpu.memory_space<vmem_shared>> -> memref<632x64xf32, #tpu.memory_space<vmem_shared>>
      %dma_start3A_30 = arith.constant 0 : i32
      %dma_start3A_31 = tpu.memref_slice %arg3[%mul3A_2, %dma_start3A_30] : memref<10112x64xf32, #tpu.memory_space<hbm>> -> memref<632x64xf32, #tpu.memory_space<hbm>>
      tpu.enqueue_dma source(%dma_start3A_31 : memref<632x64xf32, #tpu.memory_space<hbm>>) target(%dma_start3A_29 : memref<632x64xf32, #tpu.memory_space<vmem_shared>>) target_semaphore(%run_scoped3A : memref<!tpu.dma_semaphore, #tpu.memory_space<semaphore_mem>>)
      %dma_wait3A = arith.constant 0 : i32
      %dma_wait3A_32 = tpu.memref_slice %arg12[%mul3A_2, %dma_wait3A] : memref<10112x64xf32, #tpu.memory_space<vmem_shared>> -> memref<632x64xf32, #tpu.memory_space<vmem_shared>>
      %dma_wait3A_33 = arith.constant 0 : i32
      %dma_wait3A_34 = tpu.memref_slice %arg3[%mul3A_2, %dma_wait3A_33] : memref<10112x64xf32, #tpu.memory_space<hbm>> -> memref<632x64xf32, #tpu.memory_space<hbm>>
      tpu.wait_dma2 semaphore(%run_scoped3A : memref<!tpu.dma_semaphore, #tpu.memory_space<semaphore_mem>>) src(%dma_wait3A_34 : memref<632x64xf32, #tpu.memory_space<hbm>>) dst(%dma_wait3A_32 : memref<632x64xf32, #tpu.memory_space<vmem_shared>>)
      tpu.yield
    }) : () -> ()
    "tpu.region"() ({
      %run_scoped3A = tpu.sem_alloc : memref<!tpu.dma_semaphore, #tpu.memory_space<semaphore_mem>>
      %dma_start3A = arith.constant 0 : i32
      %dma_start3A_29 = tpu.memref_slice %arg13[%mul3A_2, %dma_start3A] : memref<10112x64xf32, #tpu.memory_space<vmem_shared>> -> memref<632x64xf32, #tpu.memory_space<vmem_shared>>
      tpu.enqueue_dma source(%arg6 : memref<632x64xf32, #tpu.memory_space<hbm>>) target(%dma_start3A_29 : memref<632x64xf32, #tpu.memory_space<vmem_shared>>) target_semaphore(%run_scoped3A : memref<!tpu.dma_semaphore, #tpu.memory_space<semaphore_mem>>)
      %dma_wait3A = arith.constant 0 : i32
      %dma_wait3A_30 = tpu.memref_slice %arg13[%mul3A_2, %dma_wait3A] : memref<10112x64xf32, #tpu.memory_space<vmem_shared>> -> memref<632x64xf32, #tpu.memory_space<vmem_shared>>
      tpu.wait_dma2 semaphore(%run_scoped3A : memref<!tpu.dma_semaphore, #tpu.memory_space<semaphore_mem>>) src(%arg6 : memref<632x64xf32, #tpu.memory_space<hbm>>) dst(%dma_wait3A_30 : memref<632x64xf32, #tpu.memory_space<vmem_shared>>)
      tpu.yield
    }) : () -> ()
    %barrier3A_15 = arith.constant 0 : index
    tpu.barrier barrier_id(%barrier3A_15)
    "tpu.region"() ({
      %run_scoped3A = tpu.sem_alloc : memref<!tpu.dma_semaphore, #tpu.memory_space<semaphore_mem>>
      %dma_start3A = arith.constant 0 : i32
      %dma_start3A_29 = arith.constant 0 : i32
      %dma_start3A_30 = tpu.memref_slice %arg4[%add3A, %dma_start3A, %dma_start3A_29] : memref<32x20x512xi32, #tpu.memory_space<hbm>> -> memref<1x10x512xi32, #tpu.memory_space<hbm>>
      %dma_start3A_31 = tpu.memref_squeeze %dma_start3A_30 : memref<1x10x512xi32, #tpu.memory_space<hbm>> -> memref<10x512xi32, #tpu.memory_space<hbm>>
      %dma_start3A_32 = arith.constant 0 : i32
      %dma_start3A_33 = arith.constant 0 : i32
      %dma_start3A_34 = tpu.memref_slice %arg4[%add3A, %dma_start3A_32, %dma_start3A_33] : memref<32x20x512xi32, #tpu.memory_space<hbm>> -> memref<1x10x512xi32, #tpu.memory_space<hbm>>
      %dma_start3A_35 = tpu.memref_squeeze %dma_start3A_34 : memref<1x10x512xi32, #tpu.memory_space<hbm>> -> memref<10x512xi32, #tpu.memory_space<hbm>>
      tpu.enqueue_dma source(%dma_start3A_35 : memref<10x512xi32, #tpu.memory_space<hbm>>) target(%arg9 : memref<10x512xi32, #tpu.memory_space<vmem>>) target_semaphore(%run_scoped3A : memref<!tpu.dma_semaphore, #tpu.memory_space<semaphore_mem>>)
      %dma_wait3A = arith.constant 0 : i32
      %dma_wait3A_36 = arith.constant 0 : i32
      %dma_wait3A_37 = tpu.memref_slice %arg4[%add3A, %dma_wait3A, %dma_wait3A_36] : memref<32x20x512xi32, #tpu.memory_space<hbm>> -> memref<1x10x512xi32, #tpu.memory_space<hbm>>
      %dma_wait3A_38 = tpu.memref_squeeze %dma_wait3A_37 : memref<1x10x512xi32, #tpu.memory_space<hbm>> -> memref<10x512xi32, #tpu.memory_space<hbm>>
      %dma_wait3A_39 = arith.constant 0 : i32
      %dma_wait3A_40 = arith.constant 0 : i32
      %dma_wait3A_41 = tpu.memref_slice %arg4[%add3A, %dma_wait3A_39, %dma_wait3A_40] : memref<32x20x512xi32, #tpu.memory_space<hbm>> -> memref<1x10x512xi32, #tpu.memory_space<hbm>>
      %dma_wait3A_42 = tpu.memref_squeeze %dma_wait3A_41 : memref<1x10x512xi32, #tpu.memory_space<hbm>> -> memref<10x512xi32, #tpu.memory_space<hbm>>
      tpu.wait_dma2 semaphore(%run_scoped3A : memref<!tpu.dma_semaphore, #tpu.memory_space<semaphore_mem>>) src(%dma_wait3A_42 : memref<10x512xi32, #tpu.memory_space<hbm>>) dst(%arg9 : memref<10x512xi32, #tpu.memory_space<vmem>>)
      tpu.yield
    }) : () -> ()
    "tpu.region"() ({
      %run_scoped3A = tpu.sem_alloc : memref<!tpu.dma_semaphore, #tpu.memory_space<semaphore_mem>>
      %dma_start3A = arith.constant 0 : i32
      %dma_start3A_29 = arith.constant 0 : i32
      %dma_start3A_30 = tpu.memref_slice %arg5[%add3A, %dma_start3A, %dma_start3A_29] : memref<32x20x512xi32, #tpu.memory_space<hbm>> -> memref<1x10x512xi32, #tpu.memory_space<hbm>>
      %dma_start3A_31 = tpu.memref_squeeze %dma_start3A_30 : memref<1x10x512xi32, #tpu.memory_space<hbm>> -> memref<10x512xi32, #tpu.memory_space<hbm>>
      %dma_start3A_32 = arith.constant 0 : i32
      %dma_start3A_33 = arith.constant 0 : i32
      %dma_start3A_34 = tpu.memref_slice %arg5[%add3A, %dma_start3A_32, %dma_start3A_33] : memref<32x20x512xi32, #tpu.memory_space<hbm>> -> memref<1x10x512xi32, #tpu.memory_space<hbm>>
      %dma_start3A_35 = tpu.memref_squeeze %dma_start3A_34 : memref<1x10x512xi32, #tpu.memory_space<hbm>> -> memref<10x512xi32, #tpu.memory_space<hbm>>
      tpu.enqueue_dma source(%dma_start3A_35 : memref<10x512xi32, #tpu.memory_space<hbm>>) target(%arg10 : memref<10x512xi32, #tpu.memory_space<vmem>>) target_semaphore(%run_scoped3A : memref<!tpu.dma_semaphore, #tpu.memory_space<semaphore_mem>>)
      %dma_wait3A = arith.constant 0 : i32
      %dma_wait3A_36 = arith.constant 0 : i32
      %dma_wait3A_37 = tpu.memref_slice %arg5[%add3A, %dma_wait3A, %dma_wait3A_36] : memref<32x20x512xi32, #tpu.memory_space<hbm>> -> memref<1x10x512xi32, #tpu.memory_space<hbm>>
      %dma_wait3A_38 = tpu.memref_squeeze %dma_wait3A_37 : memref<1x10x512xi32, #tpu.memory_space<hbm>> -> memref<10x512xi32, #tpu.memory_space<hbm>>
      %dma_wait3A_39 = arith.constant 0 : i32
      %dma_wait3A_40 = arith.constant 0 : i32
      %dma_wait3A_41 = tpu.memref_slice %arg5[%add3A, %dma_wait3A_39, %dma_wait3A_40] : memref<32x20x512xi32, #tpu.memory_space<hbm>> -> memref<1x10x512xi32, #tpu.memory_space<hbm>>
      %dma_wait3A_42 = tpu.memref_squeeze %dma_wait3A_41 : memref<1x10x512xi32, #tpu.memory_space<hbm>> -> memref<10x512xi32, #tpu.memory_space<hbm>>
      tpu.wait_dma2 semaphore(%run_scoped3A : memref<!tpu.dma_semaphore, #tpu.memory_space<semaphore_mem>>) src(%dma_wait3A_42 : memref<10x512xi32, #tpu.memory_space<hbm>>) dst(%arg10 : memref<10x512xi32, #tpu.memory_space<vmem>>)
      tpu.yield
    }) : () -> ()
    %scan3A_16 = arith.constant 0 : i32
    %scan3A_17 = arith.constant 0 : i32
    %scan3A_18 = arith.constant 10 : i32
    %scan3A_19 = arith.addi %scan3A_17, %scan3A_18 : i32
    %scan3A_20 = arith.constant 1 : i32
    scf.for %scan3A_29 = %scan3A_17 to %scan3A_19 step %scan3A_20  : i32 {
      %dma_start3A = arith.constant 0 : i32
      %dma_start3A_30 = tpu.memref_slice %arg9[%scan3A_29, %dma_start3A] : memref<10x512xi32, #tpu.memory_space<vmem>> -> memref<1x512xi32, #tpu.memory_space<vmem>>
      %dma_start3A_31 = tpu.memref_squeeze %dma_start3A_30 : memref<1x512xi32, #tpu.memory_space<vmem>> -> memref<512xi32, #tpu.memory_space<vmem>>
      %dma_start3A_32 = arith.constant 0 : i32
      %dma_start3A_33 = arith.constant 0 : i32
      %dma_start3A_34 = tpu.memref_slice %arg12[%dma_start3A_32, %dma_start3A_33] : memref<10112x64xf32, #tpu.memory_space<vmem_shared>> -> memref<10112x64xf32, #tpu.memory_space<vmem_shared>>
      tpu.enqueue_indirect_dma source(%dma_start3A_34 : memref<10112x64xf32, #tpu.memory_space<vmem_shared>>) target(%arg11 : memref<512x64xf32, #tpu.memory_space<vmem>>) offsets(%dma_start3A_31 : memref<512xi32, #tpu.memory_space<vmem>>) semaphore(%arg14 : memref<!tpu.dma_semaphore, #tpu.memory_space<semaphore_mem>>)
      %dma_wait3A = arith.constant 0 : i32
      %dma_wait3A_35 = tpu.memref_slice %arg9[%scan3A_29, %dma_wait3A] : memref<10x512xi32, #tpu.memory_space<vmem>> -> memref<1x512xi32, #tpu.memory_space<vmem>>
      %dma_wait3A_36 = tpu.memref_squeeze %dma_wait3A_35 : memref<1x512xi32, #tpu.memory_space<vmem>> -> memref<512xi32, #tpu.memory_space<vmem>>
      %dma_wait3A_37 = arith.constant 0 : i32
      %dma_wait3A_38 = arith.constant 0 : i32
      %dma_wait3A_39 = tpu.memref_slice %arg12[%dma_wait3A_37, %dma_wait3A_38] : memref<10112x64xf32, #tpu.memory_space<vmem_shared>> -> memref<10112x64xf32, #tpu.memory_space<vmem_shared>>
      tpu.wait_indirect_dma semaphore(%arg14 : memref<!tpu.dma_semaphore, #tpu.memory_space<semaphore_mem>>) src(%dma_wait3A_39 : memref<10112x64xf32, #tpu.memory_space<vmem_shared>>) dst(%arg11 : memref<512x64xf32, #tpu.memory_space<vmem>>)
      "tpu.region"() ({
        %run_scoped3A = tpu.sem_alloc : memref<!tpu.dma_semaphore, #tpu.memory_space<semaphore_mem>>
        %dma_start3A_40 = arith.constant 0 : i32
        %dma_start3A_41 = tpu.memref_slice %arg10[%scan3A_29, %dma_start3A_40] : memref<10x512xi32, #tpu.memory_space<vmem>> -> memref<1x512xi32, #tpu.memory_space<vmem>>
        %dma_start3A_42 = tpu.memref_squeeze %dma_start3A_41 : memref<1x512xi32, #tpu.memory_space<vmem>> -> memref<512xi32, #tpu.memory_space<vmem>>
        %dma_start3A_43 = arith.constant 0 : i32
        %dma_start3A_44 = arith.constant 0 : i32
        %dma_start3A_45 = tpu.memref_slice %arg13[%dma_start3A_43, %dma_start3A_44] : memref<10112x64xf32, #tpu.memory_space<vmem_shared>> -> memref<10112x64xf32, #tpu.memory_space<vmem_shared>>
        tpu.enqueue_indirect_dma source(%arg11 : memref<512x64xf32, #tpu.memory_space<vmem>>) target(%dma_start3A_45 : memref<10112x64xf32, #tpu.memory_space<vmem_shared>>) offsets(%dma_start3A_42 : memref<512xi32, #tpu.memory_space<vmem>>) semaphore(%run_scoped3A : memref<!tpu.dma_semaphore, #tpu.memory_space<semaphore_mem>>) {add = true}
        %dma_wait3A_46 = arith.constant 0 : i32
        %dma_wait3A_47 = tpu.memref_slice %arg10[%scan3A_29, %dma_wait3A_46] : memref<10x512xi32, #tpu.memory_space<vmem>> -> memref<1x512xi32, #tpu.memory_space<vmem>>
        %dma_wait3A_48 = tpu.memref_squeeze %dma_wait3A_47 : memref<1x512xi32, #tpu.memory_space<vmem>> -> memref<512xi32, #tpu.memory_space<vmem>>
        %dma_wait3A_49 = arith.constant 0 : i32
        %dma_wait3A_50 = arith.constant 0 : i32
        %dma_wait3A_51 = tpu.memref_slice %arg13[%dma_wait3A_49, %dma_wait3A_50] : memref<10112x64xf32, #tpu.memory_space<vmem_shared>> -> memref<10112x64xf32, #tpu.memory_space<vmem_shared>>
        tpu.wait_indirect_dma semaphore(%run_scoped3A : memref<!tpu.dma_semaphore, #tpu.memory_space<semaphore_mem>>) src(%arg11 : memref<512x64xf32, #tpu.memory_space<vmem>>) dst(%dma_wait3A_51 : memref<10112x64xf32, #tpu.memory_space<vmem_shared>>)
        tpu.yield
      }) : () -> ()
    }
    %scan3A_21 = arith.constant 10 : i32
    "tpu.region"() ({
      %run_scoped3A = tpu.sem_alloc : memref<!tpu.dma_semaphore, #tpu.memory_space<semaphore_mem>>
      %dma_start3A = arith.constant 10 : i32
      %dma_start3A_29 = arith.constant 0 : i32
      %dma_start3A_30 = tpu.memref_slice %arg4[%add3A, %dma_start3A, %dma_start3A_29] : memref<32x20x512xi32, #tpu.memory_space<hbm>> -> memref<1x10x512xi32, #tpu.memory_space<hbm>>
      %dma_start3A_31 = tpu.memref_squeeze %dma_start3A_30 : memref<1x10x512xi32, #tpu.memory_space<hbm>> -> memref<10x512xi32, #tpu.memory_space<hbm>>
      %dma_start3A_32 = arith.constant 10 : i32
      %dma_start3A_33 = arith.constant 0 : i32
      %dma_start3A_34 = tpu.memref_slice %arg4[%add3A, %dma_start3A_32, %dma_start3A_33] : memref<32x20x512xi32, #tpu.memory_space<hbm>> -> memref<1x10x512xi32, #tpu.memory_space<hbm>>
      %dma_start3A_35 = tpu.memref_squeeze %dma_start3A_34 : memref<1x10x512xi32, #tpu.memory_space<hbm>> -> memref<10x512xi32, #tpu.memory_space<hbm>>
      tpu.enqueue_dma source(%dma_start3A_35 : memref<10x512xi32, #tpu.memory_space<hbm>>) target(%arg9 : memref<10x512xi32, #tpu.memory_space<vmem>>) target_semaphore(%run_scoped3A : memref<!tpu.dma_semaphore, #tpu.memory_space<semaphore_mem>>)
      %dma_wait3A = arith.constant 10 : i32
      %dma_wait3A_36 = arith.constant 0 : i32
      %dma_wait3A_37 = tpu.memref_slice %arg4[%add3A, %dma_wait3A, %dma_wait3A_36] : memref<32x20x512xi32, #tpu.memory_space<hbm>> -> memref<1x10x512xi32, #tpu.memory_space<hbm>>
      %dma_wait3A_38 = tpu.memref_squeeze %dma_wait3A_37 : memref<1x10x512xi32, #tpu.memory_space<hbm>> -> memref<10x512xi32, #tpu.memory_space<hbm>>
      %dma_wait3A_39 = arith.constant 10 : i32
      %dma_wait3A_40 = arith.constant 0 : i32
      %dma_wait3A_41 = tpu.memref_slice %arg4[%add3A, %dma_wait3A_39, %dma_wait3A_40] : memref<32x20x512xi32, #tpu.memory_space<hbm>> -> memref<1x10x512xi32, #tpu.memory_space<hbm>>
      %dma_wait3A_42 = tpu.memref_squeeze %dma_wait3A_41 : memref<1x10x512xi32, #tpu.memory_space<hbm>> -> memref<10x512xi32, #tpu.memory_space<hbm>>
      tpu.wait_dma2 semaphore(%run_scoped3A : memref<!tpu.dma_semaphore, #tpu.memory_space<semaphore_mem>>) src(%dma_wait3A_42 : memref<10x512xi32, #tpu.memory_space<hbm>>) dst(%arg9 : memref<10x512xi32, #tpu.memory_space<vmem>>)
      tpu.yield
    }) : () -> ()
    "tpu.region"() ({
      %run_scoped3A = tpu.sem_alloc : memref<!tpu.dma_semaphore, #tpu.memory_space<semaphore_mem>>
      %dma_start3A = arith.constant 10 : i32
      %dma_start3A_29 = arith.constant 0 : i32
      %dma_start3A_30 = tpu.memref_slice %arg5[%add3A, %dma_start3A, %dma_start3A_29] : memref<32x20x512xi32, #tpu.memory_space<hbm>> -> memref<1x10x512xi32, #tpu.memory_space<hbm>>
      %dma_start3A_31 = tpu.memref_squeeze %dma_start3A_30 : memref<1x10x512xi32, #tpu.memory_space<hbm>> -> memref<10x512xi32, #tpu.memory_space<hbm>>
      %dma_start3A_32 = arith.constant 10 : i32
      %dma_start3A_33 = arith.constant 0 : i32
      %dma_start3A_34 = tpu.memref_slice %arg5[%add3A, %dma_start3A_32, %dma_start3A_33] : memref<32x20x512xi32, #tpu.memory_space<hbm>> -> memref<1x10x512xi32, #tpu.memory_space<hbm>>
      %dma_start3A_35 = tpu.memref_squeeze %dma_start3A_34 : memref<1x10x512xi32, #tpu.memory_space<hbm>> -> memref<10x512xi32, #tpu.memory_space<hbm>>
      tpu.enqueue_dma source(%dma_start3A_35 : memref<10x512xi32, #tpu.memory_space<hbm>>) target(%arg10 : memref<10x512xi32, #tpu.memory_space<vmem>>) target_semaphore(%run_scoped3A : memref<!tpu.dma_semaphore, #tpu.memory_space<semaphore_mem>>)
      %dma_wait3A = arith.constant 10 : i32
      %dma_wait3A_36 = arith.constant 0 : i32
      %dma_wait3A_37 = tpu.memref_slice %arg5[%add3A, %dma_wait3A, %dma_wait3A_36] : memref<32x20x512xi32, #tpu.memory_space<hbm>> -> memref<1x10x512xi32, #tpu.memory_space<hbm>>
      %dma_wait3A_38 = tpu.memref_squeeze %dma_wait3A_37 : memref<1x10x512xi32, #tpu.memory_space<hbm>> -> memref<10x512xi32, #tpu.memory_space<hbm>>
      %dma_wait3A_39 = arith.constant 10 : i32
      %dma_wait3A_40 = arith.constant 0 : i32
      %dma_wait3A_41 = tpu.memref_slice %arg5[%add3A, %dma_wait3A_39, %dma_wait3A_40] : memref<32x20x512xi32, #tpu.memory_space<hbm>> -> memref<1x10x512xi32, #tpu.memory_space<hbm>>
      %dma_wait3A_42 = tpu.memref_squeeze %dma_wait3A_41 : memref<1x10x512xi32, #tpu.memory_space<hbm>> -> memref<10x512xi32, #tpu.memory_space<hbm>>
      tpu.wait_dma2 semaphore(%run_scoped3A : memref<!tpu.dma_semaphore, #tpu.memory_space<semaphore_mem>>) src(%dma_wait3A_42 : memref<10x512xi32, #tpu.memory_space<hbm>>) dst(%arg10 : memref<10x512xi32, #tpu.memory_space<vmem>>)
      tpu.yield
    }) : () -> ()
    %scan3A_22 = arith.constant 0 : i32
    %scan3A_23 = arith.constant 0 : i32
    %scan3A_24 = arith.constant 10 : i32
    %scan3A_25 = arith.addi %scan3A_23, %scan3A_24 : i32
    %scan3A_26 = arith.constant 1 : i32
    scf.for %scan3A_29 = %scan3A_23 to %scan3A_25 step %scan3A_26  : i32 {
      %dma_start3A = arith.constant 0 : i32
      %dma_start3A_30 = tpu.memref_slice %arg9[%scan3A_29, %dma_start3A] : memref<10x512xi32, #tpu.memory_space<vmem>> -> memref<1x512xi32, #tpu.memory_space<vmem>>
      %dma_start3A_31 = tpu.memref_squeeze %dma_start3A_30 : memref<1x512xi32, #tpu.memory_space<vmem>> -> memref<512xi32, #tpu.memory_space<vmem>>
      %dma_start3A_32 = arith.constant 0 : i32
      %dma_start3A_33 = arith.constant 0 : i32
      %dma_start3A_34 = tpu.memref_slice %arg12[%dma_start3A_32, %dma_start3A_33] : memref<10112x64xf32, #tpu.memory_space<vmem_shared>> -> memref<10112x64xf32, #tpu.memory_space<vmem_shared>>
      tpu.enqueue_indirect_dma source(%dma_start3A_34 : memref<10112x64xf32, #tpu.memory_space<vmem_shared>>) target(%arg11 : memref<512x64xf32, #tpu.memory_space<vmem>>) offsets(%dma_start3A_31 : memref<512xi32, #tpu.memory_space<vmem>>) semaphore(%arg14 : memref<!tpu.dma_semaphore, #tpu.memory_space<semaphore_mem>>)
      %dma_wait3A = arith.constant 0 : i32
      %dma_wait3A_35 = tpu.memref_slice %arg9[%scan3A_29, %dma_wait3A] : memref<10x512xi32, #tpu.memory_space<vmem>> -> memref<1x512xi32, #tpu.memory_space<vmem>>
      %dma_wait3A_36 = tpu.memref_squeeze %dma_wait3A_35 : memref<1x512xi32, #tpu.memory_space<vmem>> -> memref<512xi32, #tpu.memory_space<vmem>>
      %dma_wait3A_37 = arith.constant 0 : i32
      %dma_wait3A_38 = arith.constant 0 : i32
      %dma_wait3A_39 = tpu.memref_slice %arg12[%dma_wait3A_37, %dma_wait3A_38] : memref<10112x64xf32, #tpu.memory_space<vmem_shared>> -> memref<10112x64xf32, #tpu.memory_space<vmem_shared>>
      tpu.wait_indirect_dma semaphore(%arg14 : memref<!tpu.dma_semaphore, #tpu.memory_space<semaphore_mem>>) src(%dma_wait3A_39 : memref<10112x64xf32, #tpu.memory_space<vmem_shared>>) dst(%arg11 : memref<512x64xf32, #tpu.memory_space<vmem>>)
      "tpu.region"() ({
        %run_scoped3A = tpu.sem_alloc : memref<!tpu.dma_semaphore, #tpu.memory_space<semaphore_mem>>
        %dma_start3A_40 = arith.constant 0 : i32
        %dma_start3A_41 = tpu.memref_slice %arg10[%scan3A_29, %dma_start3A_40] : memref<10x512xi32, #tpu.memory_space<vmem>> -> memref<1x512xi32, #tpu.memory_space<vmem>>
        %dma_start3A_42 = tpu.memref_squeeze %dma_start3A_41 : memref<1x512xi32, #tpu.memory_space<vmem>> -> memref<512xi32, #tpu.memory_space<vmem>>
        %dma_start3A_43 = arith.constant 0 : i32
        %dma_start3A_44 = arith.constant 0 : i32
        %dma_start3A_45 = tpu.memref_slice %arg13[%dma_start3A_43, %dma_start3A_44] : memref<10112x64xf32, #tpu.memory_space<vmem_shared>> -> memref<10112x64xf32, #tpu.memory_space<vmem_shared>>
        tpu.enqueue_indirect_dma source(%arg11 : memref<512x64xf32, #tpu.memory_space<vmem>>) target(%dma_start3A_45 : memref<10112x64xf32, #tpu.memory_space<vmem_shared>>) offsets(%dma_start3A_42 : memref<512xi32, #tpu.memory_space<vmem>>) semaphore(%run_scoped3A : memref<!tpu.dma_semaphore, #tpu.memory_space<semaphore_mem>>) {add = true}
        %dma_wait3A_46 = arith.constant 0 : i32
        %dma_wait3A_47 = tpu.memref_slice %arg10[%scan3A_29, %dma_wait3A_46] : memref<10x512xi32, #tpu.memory_space<vmem>> -> memref<1x512xi32, #tpu.memory_space<vmem>>
        %dma_wait3A_48 = tpu.memref_squeeze %dma_wait3A_47 : memref<1x512xi32, #tpu.memory_space<vmem>> -> memref<512xi32, #tpu.memory_space<vmem>>
        %dma_wait3A_49 = arith.constant 0 : i32
        %dma_wait3A_50 = arith.constant 0 : i32
        %dma_wait3A_51 = tpu.memref_slice %arg13[%dma_wait3A_49, %dma_wait3A_50] : memref<10112x64xf32, #tpu.memory_space<vmem_shared>> -> memref<10112x64xf32, #tpu.memory_space<vmem_shared>>
        tpu.wait_indirect_dma semaphore(%run_scoped3A : memref<!tpu.dma_semaphore, #tpu.memory_space<semaphore_mem>>) src(%arg11 : memref<512x64xf32, #tpu.memory_space<vmem>>) dst(%dma_wait3A_51 : memref<10112x64xf32, #tpu.memory_space<vmem_shared>>)
        tpu.yield
      }) : () -> ()
    }
    %scan3A_27 = arith.constant 10 : i32
    %barrier3A_28 = arith.constant 0 : index
    tpu.barrier barrier_id(%barrier3A_28)
    "tpu.region"() ({
      %run_scoped3A = tpu.sem_alloc : memref<!tpu.dma_semaphore, #tpu.memory_space<semaphore_mem>>
      %dma_start3A = arith.constant 0 : i32
      %dma_start3A_29 = tpu.memref_slice %arg8[%arg0, %mul3A_2, %dma_start3A] : memref<2x10112x64xf32, #tpu.memory_space<hbm>> -> memref<1x632x64xf32, #tpu.memory_space<hbm>>
      %dma_start3A_30 = tpu.memref_squeeze %dma_start3A_29 : memref<1x632x64xf32, #tpu.memory_space<hbm>> -> memref<632x64xf32, #tpu.memory_space<hbm>>
      %dma_start3A_31 = arith.constant 0 : i32
      %dma_start3A_32 = tpu.memref_slice %arg13[%mul3A_2, %dma_start3A_31] : memref<10112x64xf32, #tpu.memory_space<vmem_shared>> -> memref<632x64xf32, #tpu.memory_space<vmem_shared>>
      tpu.enqueue_dma source(%dma_start3A_32 : memref<632x64xf32, #tpu.memory_space<vmem_shared>>) target(%dma_start3A_30 : memref<632x64xf32, #tpu.memory_space<hbm>>) target_semaphore(%run_scoped3A : memref<!tpu.dma_semaphore, #tpu.memory_space<semaphore_mem>>)
      %dma_wait3A = arith.constant 0 : i32
      %dma_wait3A_33 = tpu.memref_slice %arg8[%arg0, %mul3A_2, %dma_wait3A] : memref<2x10112x64xf32, #tpu.memory_space<hbm>> -> memref<1x632x64xf32, #tpu.memory_space<hbm>>
      %dma_wait3A_34 = tpu.memref_squeeze %dma_wait3A_33 : memref<1x632x64xf32, #tpu.memory_space<hbm>> -> memref<632x64xf32, #tpu.memory_space<hbm>>
      %dma_wait3A_35 = arith.constant 0 : i32
      %dma_wait3A_36 = tpu.memref_slice %arg13[%mul3A_2, %dma_wait3A_35] : memref<10112x64xf32, #tpu.memory_space<vmem_shared>> -> memref<632x64xf32, #tpu.memory_space<vmem_shared>>
      tpu.wait_dma2 semaphore(%run_scoped3A : memref<!tpu.dma_semaphore, #tpu.memory_space<semaphore_mem>>) src(%dma_wait3A_36 : memref<632x64xf32, #tpu.memory_space<vmem_shared>>) dst(%dma_wait3A_34 : memref<632x64xf32, #tpu.memory_space<hbm>>)
      tpu.yield
    }) : () -> ()
    return
  }
}

</mosaic_0001>

<sc_bundles>
// kernel: _sc_layer.3.cloned.1.call-start
scs
__scs_entry_jumppad:
0x0: {  	(pc) =	sbr.rel $0x88, $3  }
0x1: {  	(tag) =	ssettag $0x0;
	lr =	simm.s32 $0x1  }
0x2: {  	[smem:$0x3F9C] =	sst lr;
	_ =	strace $0xD0000000  }
0x3: {  	_ = 	snop  }
0x4: {  	_ = 	snop  }
0x5: {  	_ = 	snop  }
0x6: {  	_ = 	snop  }
0x7: {  	_ = 	snop  }
__scs_overlays_trampoline_lowered:
0x8: {  	[smem:$0x3FAB] =	sst s0  }
0x9: {  	[smem:$0x3FAC] =	sst s1  }
0xa: {  	[smem:$0x3FAD] =	sst s2  }
0xb: {  	[smem:$0x3FAE] =	sst s3  }
0xc: {  	[smem:$0x3FAF] =	sst s4  }
0xd: {  	[smem:$0x3FB0] =	sst s5  }
0xe: {  	[smem:$0x3FB1] =	sst s6  }
0xf: {  	[smem:$0x3FB2] =	sst s7  }
0x10: {  	[smem:$0x3FB3] =	sst s8  }
0x11: {  	[smem:$0x3FB4] =	sst s9;
	s0 =	simm.s32 @!p0 $0x0  }
0x12: {  	s1 =	sld [smem:$0x3F9A];
	s0 =	simm.s32 @p0 $0x1  }
0x13: {  	[smem:$0x3FB5] =	sst s0;
	s0 =	simm.s32 @!p1 $0x0  }
0x14: {  	s2 =	sld [smem:$0x3F99];
	s0 =	simm.s32 @p1 $0x1  }
0x15: {  	[smem:$0x3FB6] =	sst s0;
	s0 =	simm.s32 @!p2 $0x0  }
0x16: {  	s3 =	sld [smem:$0x3FDB];
	s0 =	simm.s32 @p2 $0x1  }
0x17: {  	s4 =	simm.s32 $0x1BF5;
	[smem:$0x3FB8] =	sst s0  }
0x18: {  	s0 =	sld [smem:$0x3F9B];
	_ =	swait.ge [sflag:s4], $0x0  }
0x19: {  	s7 =	sld [smem:$0x3F9C]  }
0x1a: {  	s8 =	sadd.s32 $0xFFFFE003, lr  }
0x1b: {  	s9 =	sadd.s32 $0xFFFFFEF7, lr;
	s5 =	simm.s32 $0xFFFFFFFF;
	p2 =	slt.u32 s8, $0xFFFFF086  }
0x1c: {  	p1 =	slt.u32 s9, $0xF7A;
	s5 =	simm.s32 @!p2 $0x0  }
0x1d: {  	s5 =	simm.s32 @p1 $0x1;
	p0 =	seq.s32 s7, s2  }
0x1e: {  	s7 =	smul.u32 @!p0 $0xF7A, s2;
	p2 =	seq.s32 @!p0 s5, $0x0  }
0x1f: {  	s9 =	smul.u32 $0xF7A, s1;
	s8 =	simm.s32 @!p0 $0x1BF5;
	p2 =	por !p2, p0  }
0x20: {  	[sflag:s8] =	ssyncset.s32 @!p0 $0xFFFFF086;
	s6 =	sadd.s32 @!p0 s3, s7;
	s7 =	simm.s32 @!p0 $0x108  }
0x21: {  	s3 =	sadd.s32 s3, s9;
	s6 =	sadd.s32 @!p0 $0x88, s6;
	s7 =	simm.s32 @p2 $0x1082  }
0x22: {  	[simem:s7], [sflag:s8] =	dma.local @!p0 [hbm:s6], $0xF7A  }
0x23: {  	s9 =	sor.u32 $0xD0000000, s2;
	s6 =	simm.s32 $0x108;
	_ =	swait.ge @!p0 [sflag:s8], $0x0  }
0x24: {  	s3 =	sadd.s32 $0x88, s3;
	s6 =	simm.s32 @!p1 $0x1082;
	[sflag:s4] =	ssyncset.s32 $0xFFFFF086  }
0x25: {  	[simem:s6], [sflag:s4] =	dma.local [hbm:s3], $0xF7A  }
0x26: {  	[smem:$0x3F9C] =	sst s1;
	(tag) =	ssettag s2;
	_ =	strace s9  }
0x27: {  	s1 =	sld [smem:$0x3FAC]  }
0x28: {  	s2 =	sld [smem:$0x3FAD]  }
0x29: {  	s4 =	sld [smem:$0x3FAF]  }
0x2a: {  	p0 =	seq.s32 s5, $0x0;
	s5 =	sld [smem:$0x3FB0]  }
0x2b: {  	s6 =	sld [smem:$0x3FB1]  }
0x2c: {  	s7 =	sld [smem:$0x3FB2]  }
0x2d: {  	s3 =	simm.s32 $0x108;
	s8 =	sld [smem:$0x3FB3]  }
0x2e: {  	s3 =	simm.s32 @!p0 $0x1082;
	s9 =	sld [smem:$0x3FB4]  }
0x2f: {  	lr =	sadd.s32 s0, s3;
	s0 =	sld [smem:$0x3FAB]  }
0x30: {  	s3 =	sld [smem:$0x3FAE]  }
0x31: {  	[smem:$0x3FB7] =	sst s10  }
0x32: {  	s10 =	sld [smem:$0x3FB5];
	_ =	sdelay $0x3  }
0x33: {  	p0 =	seq.s32 s10, $0x1;
	s10 =	sld [smem:$0x3FB7];
	_ =	sdelay $0x3  }
0x34: {  	[smem:$0x3FB7] =	sst s10  }
0x35: {  	s10 =	sld [smem:$0x3FB6];
	_ =	sdelay $0x3  }
0x36: {  	p1 =	seq.s32 s10, $0x1;
	s10 =	sld [smem:$0x3FB7];
	_ =	sdelay $0x3  }
0x37: {  	[smem:$0x3FB7] =	sst s10  }
0x38: {  	s10 =	sld [smem:$0x3FB8]  }
0x39: {  	_ = 	snop;
	(pc) =	sbr.ind lr, $3  }
0x3a: {  	_ = 	snop  }
0x3b: {  	_ = 	snop  }
0x3c: {  	p2 =	seq.s32 s10, $0x1;
	s10 =	sld [smem:$0x3FB7]  }
0x3d: {  	_ =	shalt  }
0x3e: {  	_ =	shalt  }
0x3f: {  	_ =	shalt  }
0x40: {  	_ =	shalt  }
0x41: {  	_ =	shalt  }
0x42: {  	_ =	shalt  }
0x43: {  	_ =	shalt  }
0x44: {  	_ =	shalt  }
0x45: {  	_ =	shalt  }
0x46: {  	_ =	shalt  }
0x47: {  	_ =	shalt  }
0x48: {  	_ =	shalt  }
0x49: {  	_ =	shalt  }
0x4a: {  	_ =	shalt  }
0x4b: {  	_ =	shalt  }
0x4c: {  	_ =	shalt  }
0x4d: {  	_ =	shalt  }
0x4e: {  	_ =	shalt  }
0x4f: {  	_ =	shalt  }
0x50: {  	_ =	shalt  }
0x51: {  	_ =	shalt  }
0x52: {  	_ =	shalt  }
0x53: {  	_ =	shalt  }
0x54: {  	_ =	shalt  }
0x55: {  	_ =	shalt  }
0x56: {  	_ =	shalt  }
0x57: {  	_ =	shalt  }
0x58: {  	_ =	shalt  }
0x59: {  	_ =	shalt  }
0x5a: {  	_ =	shalt  }
0x5b: {  	_ =	shalt  }
0x5c: {  	_ =	shalt  }
0x5d: {  	_ =	shalt  }
0x5e: {  	_ =	shalt  }
0x5f: {  	_ =	shalt  }
0x60: {  	_ =	shalt  }
0x61: {  	_ =	shalt  }
0x62: {  	_ =	shalt  }
0x63: {  	_ =	shalt  }
0x64: {  	_ =	shalt  }
0x65: {  	_ =	shalt  }
0x66: {  	_ =	shalt  }
0x67: {  	_ =	shalt  }
0x68: {  	_ =	shalt  }
0x69: {  	_ =	shalt  }
0x6a: {  	_ =	shalt  }
0x6b: {  	_ =	shalt  }
0x6c: {  	_ =	shalt  }
0x6d: {  	_ =	shalt  }
0x6e: {  	_ =	shalt  }
0x6f: {  	_ =	shalt  }
0x70: {  	_ =	shalt  }
0x71: {  	_ =	shalt  }
0x72: {  	_ =	shalt  }
0x73: {  	_ =	shalt  }
0x74: {  	_ =	shalt  }
0x75: {  	_ =	shalt  }
0x76: {  	_ =	shalt  }
0x77: {  	_ =	shalt  }
0x78: {  	_ =	shalt  }
0x79: {  	_ =	shalt  }
0x7a: {  	_ =	shalt  }
0x7b: {  	_ =	shalt  }
0x7c: {  	_ =	shalt  }
0x7d: {  	_ =	shalt  }
0x7e: {  	_ =	shalt  }
0x7f: {  	_ =	shalt  }
0x80: {  	_ =	shalt  }
0x81: {  	_ =	shalt  }
0x82: {  	_ =	shalt  }
0x83: {  	_ =	shalt  }
0x84: {  	_ =	shalt  }
0x85: {  	_ =	shalt  }
0x86: {  	_ =	shalt  }
0x87: {  	_ =	shalt  }
.Lfunc_end0:
.L_simem_size_0:
called_computation_lowered:
.L_overlay_start_0:
0x88: {  	s2 =	sld [smem:$0x3FD9]  }
0x89: {  	s3 =	sld [smem:$0x3FFE];
	_ =	sdelay $0x1  }
0x8a: {  	s1 =	srdreg.scid  }
0x8b: {  	s0 =	sand.u32 $0x1, s1  }
0x8c: {  	s14 =	sshll.u32 s0, $0xA;
	s2 =	sadd.s32 s3, s2  }
0x8d: {  	s2 =	sadd.s32 s2, s14  }
0x8e: {  	[smem:$0x3FC3] =	sst s2  }
0x8f: {  	_ = 	snop  }
0x90: {  	s2 =	sld [smem:$0x3FD0];
	_ =	sdelay $0x2  }
0x91: {  	s15 =	simm.s32 $0xA;
	s4 =	simm.s32 $0x10  }
0x92: {  	[smem:s4], [sflag:s15] =	dma.local [hbm:s2], $0x1  }
0x93: {  	_ =	swait.eq [sflag:s15], $0x1  }
0x94: {  	[sflag:s15] =	ssyncset.done $0x0  }
0x95: {  	s16 =	sld [smem:$0x10];
	[sflag:s15] =	ssyncadd.s32 $0xFFFFFFFF  }
0x96: {  	s17 =	sld [smem:$0x11];
	(tm) =	ssettm $0x1  }
0x97: {  	s18 =	sld [smem:$0x3FFB];
	_ =	sdelay $0x3  }
0x98: {  	_ =	strace s18  }
0x99: {  	s4 =	sld [smem:$0x3FFC];
	_ =	sdelay $0x3  }
0x9a: {  	_ =	strace s4  }
0x9b: {  	s4 =	sld [smem:$0x3FFD];
	_ =	sdelay $0x3  }
0x9c: {  	_ =	strace s4  }
0x9d: {  	_ =	strace $0x8FFFFFFF  }
0x9e: {  	s19 =	sld [smem:$0x3FDB];
	_ =	sdelay $0x1  }
0x9f: {  	s5 =	simm.s32 $_scs_section_size  }
0xa0: {  	s6 =	simm.s32 $_size__tile_overlayer_lowered;
	s7 =	simm.s32 $_tile_overlayer_lowered  }
0xa1: {  	s22 =	simm.s32 $0x1BFF;
	s21 =	sshll.u32 s7, $0x1;
	s4 =	sadd.s32 s5, s19  }
0xa2: {  	s8 =	simm.s32 $0x0;
	s20 =	sshll.u32 s6, $0x1;
	s6 =	sadd.s32 s21, s4  }
0xa3: {  	[timem:s8], [sflag:s22] =	dma.local [hbm:s6], s20  }
0xa4: {  	_ =	swait.ge [sflag:s22], s20  }
0xa5: {  	s5 =	ssub.s32 $0x0, s20;
	[sflag:s22] =	ssyncset.done $0x0  }
0xa6: {  	[sflag:s22] =	ssyncadd.s32 s5;
	_ =	sdelay $0x1  }
0xa7: {  	s23 =	simm.s32 $0x1B8B  }
0xa8: {  	_ =	swait.ge [sflag:s23], $0x1  }
0xa9: {  	[sflag:s23] =	ssyncset.done $0x0  }
0xaa: {  	s25 =	simm.s32 $0x1B8E;
	s24 =	sld [smem:$0x3FFE];
	[sflag:s23] =	ssyncadd.s32 $0xFFFFFFFF  }
0xab: {  	s26 =	simm.s32 $execute0_lowered;
	[smem:$0x3FD2] =	sst s25  }
0xac: {  	s6 =	sshll.u32 s26, $0x1;
	_ =	strace $0x80000046;
	[dreg:$0x1] =	wrdreg $0xFFFFFFFF  }
0xad: {  	s28 =	simm.s32 $_size_execute0_lowered;
	s4 =	sadd.s32 s4, s6;
	[dreg:$0x0] =	wrdreg $0x0  }
0xae: {  	s6 =	sshll.u32 s28, $0x1;
	[dreg:$0x2] =	wrdreg s4  }
0xaf: {  	[dreg:$0x3] =	wrdreg s6  }
0xb0: {  	[dreg:$0x4] =	wrdreg $0xC0  }
0xb1: {  	_ =	task [dreg:s8], $0x5FFFF  }
0xb2: {  	[dreg:$0x1] =	wrdreg $0xFFFFFFFF  }
0xb3: {  	[dreg:$0x0] =	wrdreg $0x60  }
0xb4: {  	[dreg:$0x2] =	wrdreg s24  }
0xb5: {  	[dreg:$0x3] =	wrdreg s16  }
0xb6: {  	[dreg:$0x4] =	wrdreg s17  }
0xb7: {  	[dreg:$0x5] =	wrdreg $0xA8000  }
0xb8: {  	[dreg:$0x6] =	wrdreg $0x146000  }
0xb9: {  	[dreg:$0x7] =	wrdreg $0x9  }
0xba: {  	_ =	task.clear_ibuf [dreg:s8], $0x8FFFF;
	_ =	strace $0x90000046  }
0xbb: {  	s29 =	simm.s32 $0x9;
	_ =	strace $0x80000048  }
0xbc: {  	_ =	swait.ge [sflag:s29], $0x1  }
0xbd: {  	[sflag:s29] =	ssyncadd.s32 $0xFFFFFFFF  }
0xbe: {  	_ =	strace $0x90000048  }
0xbf: {  	_ =	sfence  }
0xc0: {  	s30 =	sld [smem:$0x0];
	_ =	sdelay $0x2  }
0xc1: {  	s31 =	sshll.u32 s1, $0xD;
	s1 =	sshrl.u32 s1, $0x2  }
0xc2: {  	s3 =	sand.u32 $0x4000, s31;
	s1 =	sadd.s32 s1, s30  }
0xc3: {  	s0 =	sor.u32 s3, s0;
	s1 =	sshll.u32 s1, $0x11  }
0xc4: {  	s0 =	sor.u32 s1, s0  }
0xc5: {  	s0 =	sadd.s32 $0x8F2B, s0  }
0xc6: {  	[sflag:s0] =	ssyncadd.remote.s32 $0x1  }
0xc7: {  	_ =	sfence.sel $0xFFFF  }
0xc8: {  	[dreg:$0x0] =	wrdreg $0xFFFFFFFF;
	(pc) =	sbr.abs _section_cstart, $3  }
0xc9: {  	[dreg:$0x1] =	wrdreg $0xFFFFFFFF  }
0xca: {  	_ =	task.clear_ibuf [dreg:s8], $0x2FFFF;
	_ =	strace $0x9FFFFFFF  }
0xcb: {  	(tm) =	ssettm $0x7FFFFFFF  }
tec
execute0_lowered:
.L_overlay_start_1:
0x0: {  	(tag) =	ssettag $0x1  }
0x1: {  	s0 =	rddreg [dreg:$0x0]  }
0x2: {  	s1 =	rddreg [dreg:$0x1]  }
0x3: {  	s6 =	rddreg [dreg:$0x2]  }
0x4: {  	s12 =	stileid.u32;
	s3 =	srdreg.scid  }
0x5: {  	s2 =	rddreg [dreg:$0x3];
	s4 =	smul.u32 $0x9E00, s12  }
0x6: {  	s31 =	simm.s32 $0x0;
	s9 =	sand.u32 $0x1, s3;
	s3 =	rddreg [dreg:$0x4]  }
0x7: {  	[smem:$0x7FF] =	sst s31;
	s5 =	smul.u32 $0x9E000, s9;
	s7 =	sshrl.u32 s4, $0x3  }
0x8: {  	[dreg:$0x12] =	wrdreg s9;
	s7 =	sadd.s32 s7, s0  }
0x9: {  	_ =	strace $0x80000047;
	s5 =	sadd.s32 s4, s5;
	s8 =	sadd.s32 $0x16400, s7  }
0xa: {  	s10 =	sshrl.u32 s5, $0x3;
	s7 =	sadd.s32 $0x2A000, s7;
	[dreg:$0x6] =	wrdreg s8  }
0xb: {  	s1 =	sadd.s32 s1, s10;
	[dreg:$0x8] =	wrdreg s7  }
0xc: {  	s18 =	sshll.u32 s12, $0x6;
	s17 =	sadd.s32 s4, s2;
	[dreg:$0x7] =	wrdreg s1  }
0xd: {  	s16 =	sshrl.u32 s17, $0x3;
	s19 =	sadd.s32 s6, s10;
	s11 =	rddreg [dreg:$0x6]  }
0xe: {  	s5 =	sor.u32 $0x1C02, s18;
	s6 =	simm.s32 $0x2;
	[dreg:$0x9] =	wrdreg s19  }
0xf: {  	[spmem:s16], [sflag:s5] =	dma.local [hbm:s11], $0x13C0  }
0x10: {  	s4 =	sadd.s32 s4, s3;
	_ =	swait.ge [sflag:s6], $0x13C0  }
0x11: {  	s20 =	sshll.u32 s12, $0x1;
	s12 =	sshrl.u32 s4, $0x3;
	[sflag:s6] =	ssyncset.done $0x0  }
0x12: {  	s1 =	sor.u32 s9, s20;
	s11 =	sadd.s32 $0x1000, s0;
	[sflag:s6] =	ssyncadd.s32 $0xFFFFEC40  }
0x13: {  	[spmem:s12], [sflag:s5] =	dma.local [hbm:s11], $0x13C0  }
0x14: {  	s1 =	smul.u32 $0x2800, s1;
	_ =	swait.ge [sflag:s6], $0x13C0  }
0x15: {  	[sflag:s6] =	ssyncset.done $0x0  }
0x16: {  	s8 =	sadd.s32 $0x2400, s0;
	s4 =	sshrl.u32 s1, $0x3;
	[sflag:s6] =	ssyncadd.s32 $0xFFFFEC40  }
0x17: {  	s17 =	sadd.s32 s8, s4;
	[bflag:$0x0] =	sbarrier.arrive $0xFFFF  }
0x18: {  	[tilespmem:s31], [sflag:$0x2] =	stream.linear.gather [hbm4b:s17+s31], $0x1400, $0x38;
	[tilespmem:$0x1E400] =	vst v63  }
0x19: {  	_ =	swait.ge [sflag:s6], $0x1400  }
0x1a: {  	s10 =	sadd.s32 $0xC400, s0;
	[sflag:s6] =	ssyncset.done $0x0  }
0x1b: {  	s0 =	simm.s32 $0x1400;
	s18 =	sadd.s32 s10, s4;
	[sflag:s6] =	ssyncadd.s32 $0xFFFFEC00  }
0x1c: {  	[tilespmem:s0], [sflag:$0x2] =	stream.linear.gather [hbm4b:s18+s31], $0x1400, $0x38;
	[tilespmem:$0x1E400] =	vst v63  }
0x1d: {  	_ =	swait.ge [sflag:s6], $0x1400  }
0x1e: {  	s13 =	simm.s32 $0x200;
	[sflag:s6] =	ssyncset.done $0x0  }
0x1f: {  	s14 =	simm.s32 $0x2800;
	s15 =	simm.s32 $0x1;
	[sflag:s6] =	ssyncadd.s32 $0xFFFFEC00  }
0x20: {  	[tilespmem:s14], [sflag:$0x1] =	stream.indirect.gather [spmem:s2], $0x40, s31, s13, $0xb8;
	[tilespmem:$0x1E400] =	vst v63  }
0x21: {  	_ =	swait.ge [sflag:s15], $0x8000  }
0x22: {  	[sflag:s15] =	ssyncset.done $0x0  }
0x23: {  	[sflag:s15] =	ssyncadd.s32 $0xFFFF8000  }
0x24: {  	[spmem:s3] =	stream.indirect.scatter.add.f32 [tilespmem:s14], [sflag:$0x2], $0x40, s0, s13, $0xb8;
	[tilespmem:$0x1E400] =	vst v63  }
0x25: {  	_ =	swait.ge [sflag:s6], $0x8000  }
0x26: {  	[sflag:s6] =	ssyncset.done $0x0  }
0x27: {  	[sflag:s6] =	ssyncadd.s32 $0xFFFF8000  }
0x28: {  	[tilespmem:s14], [sflag:$0x1] =	stream.indirect.gather [spmem:s2], $0x40, s13, s13, $0xb8;
	[tilespmem:$0x1E400] =	vst v63  }
0x29: {  	_ =	swait.ge [sflag:s15], $0x8000  }
0x2a: {  	[sflag:s15] =	ssyncset.done $0x0  }
0x2b: {  	s21 =	simm.s32 $0x1600;
	[sflag:s15] =	ssyncadd.s32 $0xFFFF8000  }
0x2c: {  	[spmem:s3] =	stream.indirect.scatter.add.f32 [tilespmem:s14], [sflag:$0x2], $0x40, s21, s13, $0xb8;
	[tilespmem:$0x1E400] =	vst v63  }
0x2d: {  	_ =	swait.ge [sflag:s6], $0x8000  }
0x2e: {  	[sflag:s6] =	ssyncset.done $0x0  }
0x2f: {  	s22 =	simm.s32 $0x400;
	[sflag:s6] =	ssyncadd.s32 $0xFFFF8000  }
0x30: {  	[tilespmem:s14], [sflag:$0x1] =	stream.indirect.gather [spmem:s2], $0x40, s22, s13, $0xb8;
	[tilespmem:$0x1E400] =	vst v63  }
0x31: {  	_ =	swait.ge [sflag:s15], $0x8000  }
0x32: {  	[sflag:s15] =	ssyncset.done $0x0  }
0x33: {  	s23 =	simm.s32 $0x1800;
	[sflag:s15] =	ssyncadd.s32 $0xFFFF8000  }
0x34: {  	[spmem:s3] =	stream.indirect.scatter.add.f32 [tilespmem:s14], [sflag:$0x2], $0x40, s23, s13, $0xb8;
	[tilespmem:$0x1E400] =	vst v63  }
0x35: {  	_ =	swait.ge [sflag:s6], $0x8000  }
0x36: {  	[sflag:s6] =	ssyncset.done $0x0  }
0x37: {  	s24 =	simm.s32 $0x600;
	[sflag:s6] =	ssyncadd.s32 $0xFFFF8000  }
0x38: {  	[tilespmem:s14], [sflag:$0x1] =	stream.indirect.gather [spmem:s2], $0x40, s24, s13, $0xb8;
	[tilespmem:$0x1E400] =	vst v63  }
0x39: {  	_ =	swait.ge [sflag:s15], $0x8000  }
0x3a: {  	[sflag:s15] =	ssyncset.done $0x0  }
0x3b: {  	s25 =	simm.s32 $0x1A00;
	[sflag:s15] =	ssyncadd.s32 $0xFFFF8000  }
0x3c: {  	[spmem:s3] =	stream.indirect.scatter.add.f32 [tilespmem:s14], [sflag:$0x2], $0x40, s25, s13, $0xb8;
	[tilespmem:$0x1E400] =	vst v63  }
0x3d: {  	_ =	swait.ge [sflag:s6], $0x8000  }
0x3e: {  	[sflag:s6] =	ssyncset.done $0x0  }
0x3f: {  	s26 =	simm.s32 $0x800;
	[sflag:s6] =	ssyncadd.s32 $0xFFFF8000  }
0x40: {  	[tilespmem:s14], [sflag:$0x1] =	stream.indirect.gather [spmem:s2], $0x40, s26, s13, $0xb8;
	[tilespmem:$0x1E400] =	vst v63  }
0x41: {  	_ =	swait.ge [sflag:s15], $0x8000  }
0x42: {  	[sflag:s15] =	ssyncset.done $0x0  }
0x43: {  	s28 =	simm.s32 $0x1C00;
	[sflag:s15] =	ssyncadd.s32 $0xFFFF8000  }
0x44: {  	[spmem:s3] =	stream.indirect.scatter.add.f32 [tilespmem:s14], [sflag:$0x2], $0x40, s28, s13, $0xb8;
	[tilespmem:$0x1E400] =	vst v63  }
0x45: {  	_ =	swait.ge [sflag:s6], $0x8000  }
0x46: {  	[sflag:s6] =	ssyncset.done $0x0  }
0x47: {  	s29 =	simm.s32 $0xA00;
	[sflag:s6] =	ssyncadd.s32 $0xFFFF8000  }
0x48: {  	[tilespmem:s14], [sflag:$0x1] =	stream.indirect.gather [spmem:s2], $0x40, s29, s13, $0xb8;
	[tilespmem:$0x1E400] =	vst v63  }
0x49: {  	_ =	swait.ge [sflag:s15], $0x8000  }
0x4a: {  	[sflag:s15] =	ssyncset.done $0x0  }
0x4b: {  	s30 =	simm.s32 $0x1E00;
	[sflag:s15] =	ssyncadd.s32 $0xFFFF8000  }
0x4c: {  	[spmem:s3] =	stream.indirect.scatter.add.f32 [tilespmem:s14], [sflag:$0x2], $0x40, s30, s13, $0xb8;
	[tilespmem:$0x1E400] =	vst v63  }
0x4d: {  	_ =	swait.ge [sflag:s6], $0x8000  }
0x4e: {  	[sflag:s6] =	ssyncset.done $0x0  }
0x4f: {  	s7 =	simm.s32 $0xC00;
	[sflag:s6] =	ssyncadd.s32 $0xFFFF8000  }
0x50: {  	[tilespmem:s14], [sflag:$0x1] =	stream.indirect.gather [spmem:s2], $0x40, s7, s13, $0xb8;
	[tilespmem:$0x1E400] =	vst v63  }
0x51: {  	_ =	swait.ge [sflag:s15], $0x8000  }
0x52: {  	[sflag:s15] =	ssyncset.done $0x0  }
0x53: {  	s19 =	simm.s32 $0x2000;
	[sflag:s15] =	ssyncadd.s32 $0xFFFF8000  }
0x54: {  	[spmem:s3] =	stream.indirect.scatter.add.f32 [tilespmem:s14], [sflag:$0x2], $0x40, s19, s13, $0xb8;
	[tilespmem:$0x1E400] =	vst v63  }
0x55: {  	_ =	swait.ge [sflag:s6], $0x8000  }
0x56: {  	[sflag:s6] =	ssyncset.done $0x0  }
0x57: {  	s20 =	simm.s32 $0xE00;
	[sflag:s6] =	ssyncadd.s32 $0xFFFF8000  }
0x58: {  	[tilespmem:s14], [sflag:$0x1] =	stream.indirect.gather [spmem:s2], $0x40, s20, s13, $0xb8;
	[tilespmem:$0x1E400] =	vst v63  }
0x59: {  	_ =	swait.ge [sflag:s15], $0x8000  }
0x5a: {  	[sflag:s15] =	ssyncset.done $0x0  }
0x5b: {  	s21 =	simm.s32 $0x2200;
	[sflag:s15] =	ssyncadd.s32 $0xFFFF8000  }
0x5c: {  	[spmem:s3] =	stream.indirect.scatter.add.f32 [tilespmem:s14], [sflag:$0x2], $0x40, s21, s13, $0xb8;
	[tilespmem:$0x1E400] =	vst v63  }
0x5d: {  	_ =	swait.ge [sflag:s6], $0x8000  }
0x5e: {  	[sflag:s6] =	ssyncset.done $0x0  }
0x5f: {  	s22 =	simm.s32 $0x1000;
	[sflag:s6] =	ssyncadd.s32 $0xFFFF8000  }
0x60: {  	[tilespmem:s14], [sflag:$0x1] =	stream.indirect.gather [spmem:s2], $0x40, s22, s13, $0xb8;
	[tilespmem:$0x1E400] =	vst v63  }
0x61: {  	_ =	swait.ge [sflag:s15], $0x8000  }
0x62: {  	[sflag:s15] =	ssyncset.done $0x0  }
0x63: {  	s23 =	simm.s32 $0x2400;
	[sflag:s15] =	ssyncadd.s32 $0xFFFF8000  }
0x64: {  	[spmem:s3] =	stream.indirect.scatter.add.f32 [tilespmem:s14], [sflag:$0x2], $0x40, s23, s13, $0xb8;
	[tilespmem:$0x1E400] =	vst v63  }
0x65: {  	_ =	swait.ge [sflag:s6], $0x8000  }
0x66: {  	[sflag:s6] =	ssyncset.done $0x0  }
0x67: {  	s24 =	simm.s32 $0x1200;
	[sflag:s6] =	ssyncadd.s32 $0xFFFF8000  }
0x68: {  	[tilespmem:s14], [sflag:$0x1] =	stream.indirect.gather [spmem:s2], $0x40, s24, s13, $0xb8;
	[tilespmem:$0x1E400] =	vst v63  }
0x69: {  	_ =	swait.ge [sflag:s15], $0x8000  }
0x6a: {  	[sflag:s15] =	ssyncset.done $0x0  }
0x6b: {  	s25 =	simm.s32 $0x2600;
	[sflag:s15] =	ssyncadd.s32 $0xFFFF8000  }
0x6c: {  	[spmem:s3] =	stream.indirect.scatter.add.f32 [tilespmem:s14], [sflag:$0x2], $0x40, s25, s13, $0xb8;
	[tilespmem:$0x1E400] =	vst v63  }
0x6d: {  	_ =	swait.ge [sflag:s6], $0x8000  }
0x6e: {  	s26 =	sadd.s32 $0x280, s4;
	[sflag:s6] =	ssyncset.done $0x0  }
0x6f: {  	s4 =	sadd.s32 s8, s26;
	[sflag:s6] =	ssyncadd.s32 $0xFFFF8000  }
0x70: {  	[tilespmem:s31], [sflag:$0x2] =	stream.linear.gather [hbm4b:s4+s31], $0x1400, $0x38;
	[tilespmem:$0x1E400] =	vst v63  }
0x71: {  	_ =	swait.ge [sflag:s6], $0x1400  }
0x72: {  	[sflag:s6] =	ssyncset.done $0x0  }
0x73: {  	s7 =	sadd.s32 s10, s26;
	[sflag:s6] =	ssyncadd.s32 $0xFFFFEC00  }
0x74: {  	[tilespmem:s0], [sflag:$0x2] =	stream.linear.gather [hbm4b:s7+s31], $0x1400, $0x38;
	[tilespmem:$0x1E400] =	vst v63  }
0x75: {  	_ =	swait.ge [sflag:s6], $0x1400  }
0x76: {  	[sflag:s6] =	ssyncset.done $0x0  }
0x77: {  	[sflag:s6] =	ssyncadd.s32 $0xFFFFEC00  }
0x78: {  	[tilespmem:s14], [sflag:$0x1] =	stream.indirect.gather [spmem:s2], $0x40, s31, s13, $0xb8;
	[tilespmem:$0x1E400] =	vst v63  }
0x79: {  	_ =	swait.ge [sflag:s15], $0x8000  }
0x7a: {  	[sflag:s15] =	ssyncset.done $0x0  }
0x7b: {  	[sflag:s15] =	ssyncadd.s32 $0xFFFF8000  }
0x7c: {  	[spmem:s3] =	stream.indirect.scatter.add.f32 [tilespmem:s14], [sflag:$0x2], $0x40, s0, s13, $0xb8;
	[tilespmem:$0x1E400] =	vst v63  }
0x7d: {  	_ =	swait.ge [sflag:s6], $0x8000  }
0x7e: {  	[sflag:s6] =	ssyncset.done $0x0  }
0x7f: {  	[sflag:s6] =	ssyncadd.s32 $0xFFFF8000  }
0x80: {  	[tilespmem:s14], [sflag:$0x1] =	stream.indirect.gather [spmem:s2], $0x40, s13, s13, $0xb8;
	[tilespmem:$0x1E400] =	vst v63  }
0x81: {  	_ =	swait.ge [sflag:s15], $0x8000  }
0x82: {  	[sflag:s15] =	ssyncset.done $0x0  }
0x83: {  	s9 =	simm.s32 $0x1600;
	[sflag:s15] =	ssyncadd.s32 $0xFFFF8000  }
0x84: {  	[spmem:s3] =	stream.indirect.scatter.add.f32 [tilespmem:s14], [sflag:$0x2], $0x40, s9, s13, $0xb8;
	[tilespmem:$0x1E400] =	vst v63  }
0x85: {  	_ =	swait.ge [sflag:s6], $0x8000  }
0x86: {  	[sflag:s6] =	ssyncset.done $0x0  }
0x87: {  	s1 =	simm.s32 $0x400;
	[sflag:s6] =	ssyncadd.s32 $0xFFFF8000  }
0x88: {  	[tilespmem:s14], [sflag:$0x1] =	stream.indirect.gather [spmem:s2], $0x40, s1, s13, $0xb8;
	[tilespmem:$0x1E400] =	vst v63  }
0x89: {  	_ =	swait.ge [sflag:s15], $0x8000  }
0x8a: {  	[sflag:s15] =	ssyncset.done $0x0  }
0x8b: {  	s8 =	simm.s32 $0x1800;
	[sflag:s15] =	ssyncadd.s32 $0xFFFF8000  }
0x8c: {  	[spmem:s3] =	stream.indirect.scatter.add.f32 [tilespmem:s14], [sflag:$0x2], $0x40, s8, s13, $0xb8;
	[tilespmem:$0x1E400] =	vst v63  }
0x8d: {  	_ =	swait.ge [sflag:s6], $0x8000  }
0x8e: {  	[sflag:s6] =	ssyncset.done $0x0  }
0x8f: {  	s9 =	simm.s32 $0x600;
	[sflag:s6] =	ssyncadd.s32 $0xFFFF8000  }
0x90: {  	[tilespmem:s14], [sflag:$0x1] =	stream.indirect.gather [spmem:s2], $0x40, s9, s13, $0xb8;
	[tilespmem:$0x1E400] =	vst v63  }
0x91: {  	_ =	swait.ge [sflag:s15], $0x8000  }
0x92: {  	[sflag:s15] =	ssyncset.done $0x0  }
0x93: {  	s19 =	simm.s32 $0x1A00;
	[sflag:s15] =	ssyncadd.s32 $0xFFFF8000  }
0x94: {  	[spmem:s3] =	stream.indirect.scatter.add.f32 [tilespmem:s14], [sflag:$0x2], $0x40, s19, s13, $0xb8;
	[tilespmem:$0x1E400] =	vst v63  }
0x95: {  	_ =	swait.ge [sflag:s6], $0x8000  }
0x96: {  	[sflag:s6] =	ssyncset.done $0x0  }
0x97: {  	s20 =	simm.s32 $0x800;
	[sflag:s6] =	ssyncadd.s32 $0xFFFF8000  }
0x98: {  	[tilespmem:s14], [sflag:$0x1] =	stream.indirect.gather [spmem:s2], $0x40, s20, s13, $0xb8;
	[tilespmem:$0x1E400] =	vst v63  }
0x99: {  	_ =	swait.ge [sflag:s15], $0x8000  }
0x9a: {  	[sflag:s15] =	ssyncset.done $0x0  }
0x9b: {  	s21 =	simm.s32 $0x1C00;
	[sflag:s15] =	ssyncadd.s32 $0xFFFF8000  }
0x9c: {  	[spmem:s3] =	stream.indirect.scatter.add.f32 [tilespmem:s14], [sflag:$0x2], $0x40, s21, s13, $0xb8;
	[tilespmem:$0x1E400] =	vst v63  }
0x9d: {  	_ =	swait.ge [sflag:s6], $0x8000  }
0x9e: {  	[sflag:s6] =	ssyncset.done $0x0  }
0x9f: {  	s22 =	simm.s32 $0xA00;
	[sflag:s6] =	ssyncadd.s32 $0xFFFF8000  }
0xa0: {  	[tilespmem:s14], [sflag:$0x1] =	stream.indirect.gather [spmem:s2], $0x40, s22, s13, $0xb8;
	[tilespmem:$0x1E400] =	vst v63  }
0xa1: {  	_ =	swait.ge [sflag:s15], $0x8000  }
0xa2: {  	[sflag:s15] =	ssyncset.done $0x0  }
0xa3: {  	s23 =	simm.s32 $0x1E00;
	[sflag:s15] =	ssyncadd.s32 $0xFFFF8000  }
0xa4: {  	[spmem:s3] =	stream.indirect.scatter.add.f32 [tilespmem:s14], [sflag:$0x2], $0x40, s23, s13, $0xb8;
	[tilespmem:$0x1E400] =	vst v63  }
0xa5: {  	_ =	swait.ge [sflag:s6], $0x8000  }
0xa6: {  	[sflag:s6] =	ssyncset.done $0x0  }
0xa7: {  	s24 =	simm.s32 $0xC00;
	[sflag:s6] =	ssyncadd.s32 $0xFFFF8000  }
0xa8: {  	[tilespmem:s14], [sflag:$0x1] =	stream.indirect.gather [spmem:s2], $0x40, s24, s13, $0xb8;
	[tilespmem:$0x1E400] =	vst v63  }
0xa9: {  	_ =	swait.ge [sflag:s15], $0x8000  }
0xaa: {  	[sflag:s15] =	ssyncset.done $0x0  }
0xab: {  	s25 =	simm.s32 $0x2000;
	[sflag:s15] =	ssyncadd.s32 $0xFFFF8000  }
0xac: {  	[spmem:s3] =	stream.indirect.scatter.add.f32 [tilespmem:s14], [sflag:$0x2], $0x40, s25, s13, $0xb8;
	[tilespmem:$0x1E400] =	vst v63  }
0xad: {  	_ =	swait.ge [sflag:s6], $0x8000  }
0xae: {  	[sflag:s6] =	ssyncset.done $0x0  }
0xaf: {  	s26 =	simm.s32 $0xE00;
	[sflag:s6] =	ssyncadd.s32 $0xFFFF8000  }
0xb0: {  	[tilespmem:s14], [sflag:$0x1] =	stream.indirect.gather [spmem:s2], $0x40, s26, s13, $0xb8;
	[tilespmem:$0x1E400] =	vst v63  }
0xb1: {  	_ =	swait.ge [sflag:s15], $0x8000  }
0xb2: {  	[sflag:s15] =	ssyncset.done $0x0  }
0xb3: {  	s28 =	simm.s32 $0x2200;
	[sflag:s15] =	ssyncadd.s32 $0xFFFF8000  }
0xb4: {  	[spmem:s3] =	stream.indirect.scatter.add.f32 [tilespmem:s14], [sflag:$0x2], $0x40, s28, s13, $0xb8;
	[tilespmem:$0x1E400] =	vst v63  }
0xb5: {  	_ =	swait.ge [sflag:s6], $0x8000  }
0xb6: {  	[sflag:s6] =	ssyncset.done $0x0  }
0xb7: {  	s29 =	simm.s32 $0x1000;
	[sflag:s6] =	ssyncadd.s32 $0xFFFF8000  }
0xb8: {  	[tilespmem:s14], [sflag:$0x1] =	stream.indirect.gather [spmem:s2], $0x40, s29, s13, $0xb8;
	[tilespmem:$0x1E400] =	vst v63  }
0xb9: {  	_ =	swait.ge [sflag:s15], $0x8000  }
0xba: {  	[sflag:s15] =	ssyncset.done $0x0  }
0xbb: {  	s30 =	simm.s32 $0x2400;
	[sflag:s15] =	ssyncadd.s32 $0xFFFF8000  }
0xbc: {  	[spmem:s3] =	stream.indirect.scatter.add.f32 [tilespmem:s14], [sflag:$0x2], $0x40, s30, s13, $0xb8;
	[tilespmem:$0x1E400] =	vst v63  }
0xbd: {  	_ =	swait.ge [sflag:s6], $0x8000  }
0xbe: {  	[sflag:s6] =	ssyncset.done $0x0  }
0xbf: {  	s10 =	simm.s32 $0x1200;
	[sflag:s6] =	ssyncadd.s32 $0xFFFF8000  }
0xc0: {  	[tilespmem:s14], [sflag:$0x1] =	stream.indirect.gather [spmem:s2], $0x40, s10, s13, $0xb8;
	[tilespmem:$0x1E400] =	vst v63  }
0xc1: {  	_ =	swait.ge [sflag:s15], $0x8000  }
0xc2: {  	[sflag:s15] =	ssyncset.done $0x0  }
0xc3: {  	s10 =	simm.s32 $0x2600;
	[sflag:s15] =	ssyncadd.s32 $0xFFFF8000  }
0xc4: {  	[spmem:s3] =	stream.indirect.scatter.add.f32 [tilespmem:s14], [sflag:$0x2], $0x40, s10, s13, $0xb8;
	[tilespmem:$0x1E400] =	vst v63  }
0xc5: {  	_ =	swait.ge [sflag:s6], $0x8000  }
0xc6: {  	[sflag:s6] =	ssyncset.done $0x0  }
0xc7: {  	[sflag:s6] =	ssyncadd.s32 $0xFFFF8000  }
0xc8: {  	[bflag:$0x0] =	sbarrier.arrive $0xFFFF  }
0xc9: {  	s10 =	rddreg [dreg:$0x7]  }
0xca: {  	[hbm:s10], [sflag:s5] =	dma.local [spmem:s12], $0x13C0  }
0xcb: {  	_ =	swait.ge [sflag:s6], $0x13C0  }
0xcc: {  	[dreg:$0xa] =	wrdreg s16;
	[sflag:s6] =	ssyncset.done $0x0  }
0xcd: {  	s10 =	rddreg [dreg:$0x8];
	[sflag:s6] =	ssyncadd.s32 $0xFFFFEC40  }
0xce: {  	[spmem:s16], [sflag:s5] =	dma.local [hbm:s10], $0x13C0  }
0xcf: {  	_ =	swait.ge [sflag:s6], $0x13C0  }
0xd0: {  	[sflag:s6] =	ssyncset.done $0x0  }
0xd1: {  	[dreg:$0xb] =	wrdreg s11;
	[sflag:s6] =	ssyncadd.s32 $0xFFFFEC40  }
0xd2: {  	[spmem:s12], [sflag:s5] =	dma.local [hbm:s11], $0x13C0  }
0xd3: {  	_ =	swait.ge [sflag:s6], $0x13C0  }
0xd4: {  	[sflag:s6] =	ssyncset.done $0x0  }
0xd5: {  	[sflag:s6] =	ssyncadd.s32 $0xFFFFEC40  }
0xd6: {  	[bflag:$0x0] =	sbarrier.arrive $0xFFFF  }
0xd7: {  	[dreg:$0xc] =	wrdreg s17  }
0xd8: {  	[tilespmem:s31], [sflag:$0x2] =	stream.linear.gather [hbm4b:s17+s31], $0x1400, $0x38;
	[tilespmem:$0x1E400] =	vst v63  }
0xd9: {  	_ =	swait.ge [sflag:s6], $0x1400  }
0xda: {  	[sflag:s6] =	ssyncset.done $0x0  }
0xdb: {  	[dreg:$0xd] =	wrdreg s18;
	[sflag:s6] =	ssyncadd.s32 $0xFFFFEC00  }
0xdc: {  	[tilespmem:s0], [sflag:$0x2] =	stream.linear.gather [hbm4b:s18+s31], $0x1400, $0x38;
	[tilespmem:$0x1E400] =	vst v63  }
0xdd: {  	_ =	swait.ge [sflag:s6], $0x1400  }
0xde: {  	[sflag:s6] =	ssyncset.done $0x0  }
0xdf: {  	[sflag:s6] =	ssyncadd.s32 $0xFFFFEC00  }
0xe0: {  	[tilespmem:s14], [sflag:$0x1] =	stream.indirect.gather [spmem:s2], $0x40, s31, s13, $0xb8;
	[tilespmem:$0x1E400] =	vst v63  }
0xe1: {  	_ =	swait.ge [sflag:s15], $0x8000  }
0xe2: {  	[sflag:s15] =	ssyncset.done $0x0  }
0xe3: {  	[sflag:s15] =	ssyncadd.s32 $0xFFFF8000  }
0xe4: {  	[spmem:s3] =	stream.indirect.scatter.add.f32 [tilespmem:s14], [sflag:$0x2], $0x40, s0, s13, $0xb8;
	[tilespmem:$0x1E400] =	vst v63  }
0xe5: {  	_ =	swait.ge [sflag:s6], $0x8000  }
0xe6: {  	[sflag:s6] =	ssyncset.done $0x0  }
0xe7: {  	[sflag:s6] =	ssyncadd.s32 $0xFFFF8000  }
0xe8: {  	[tilespmem:s14], [sflag:$0x1] =	stream.indirect.gather [spmem:s2], $0x40, s13, s13, $0xb8;
	[tilespmem:$0x1E400] =	vst v63  }
0xe9: {  	_ =	swait.ge [sflag:s15], $0x8000  }
0xea: {  	[sflag:s15] =	ssyncset.done $0x0  }
0xeb: {  	s10 =	simm.s32 $0x1600;
	[sflag:s15] =	ssyncadd.s32 $0xFFFF8000  }
0xec: {  	[spmem:s3] =	stream.indirect.scatter.add.f32 [tilespmem:s14], [sflag:$0x2], $0x40, s10, s13, $0xb8;
	[tilespmem:$0x1E400] =	vst v63  }
0xed: {  	_ =	swait.ge [sflag:s6], $0x8000  }
0xee: {  	[sflag:s6] =	ssyncset.done $0x0  }
0xef: {  	[sflag:s6] =	ssyncadd.s32 $0xFFFF8000  }
0xf0: {  	[tilespmem:s14], [sflag:$0x1] =	stream.indirect.gather [spmem:s2], $0x40, s1, s13, $0xb8;
	[tilespmem:$0x1E400] =	vst v63  }
0xf1: {  	_ =	swait.ge [sflag:s15], $0x8000  }
0xf2: {  	[sflag:s15] =	ssyncset.done $0x0  }
0xf3: {  	[sflag:s15] =	ssyncadd.s32 $0xFFFF8000  }
0xf4: {  	[spmem:s3] =	stream.indirect.scatter.add.f32 [tilespmem:s14], [sflag:$0x2], $0x40, s8, s13, $0xb8;
	[tilespmem:$0x1E400] =	vst v63  }
0xf5: {  	_ =	swait.ge [sflag:s6], $0x8000  }
0xf6: {  	[sflag:s6] =	ssyncset.done $0x0  }
0xf7: {  	[sflag:s6] =	ssyncadd.s32 $0xFFFF8000  }
0xf8: {  	[tilespmem:s14], [sflag:$0x1] =	stream.indirect.gather [spmem:s2], $0x40, s9, s13, $0xb8;
	[tilespmem:$0x1E400] =	vst v63  }
0xf9: {  	_ =	swait.ge [sflag:s15], $0x8000  }
0xfa: {  	[sflag:s15] =	ssyncset.done $0x0  }
0xfb: {  	[sflag:s15] =	ssyncadd.s32 $0xFFFF8000  }
0xfc: {  	[spmem:s3] =	stream.indirect.scatter.add.f32 [tilespmem:s14], [sflag:$0x2], $0x40, s19, s13, $0xb8;
	[tilespmem:$0x1E400] =	vst v63  }
0xfd: {  	_ =	swait.ge [sflag:s6], $0x8000  }
0xfe: {  	[sflag:s6] =	ssyncset.done $0x0  }
0xff: {  	[sflag:s6] =	ssyncadd.s32 $0xFFFF8000  }
0x100: {  	[tilespmem:s14], [sflag:$0x1] =	stream.indirect.gather [spmem:s2], $0x40, s20, s13, $0xb8;
	[tilespmem:$0x1E400] =	vst v63  }
0x101: {  	_ =	swait.ge [sflag:s15], $0x8000  }
0x102: {  	[sflag:s15] =	ssyncset.done $0x0  }
0x103: {  	[sflag:s15] =	ssyncadd.s32 $0xFFFF8000  }
0x104: {  	[spmem:s3] =	stream.indirect.scatter.add.f32 [tilespmem:s14], [sflag:$0x2], $0x40, s21, s13, $0xb8;
	[tilespmem:$0x1E400] =	vst v63  }
0x105: {  	_ =	swait.ge [sflag:s6], $0x8000  }
0x106: {  	[sflag:s6] =	ssyncset.done $0x0  }
0x107: {  	[sflag:s6] =	ssyncadd.s32 $0xFFFF8000  }
0x108: {  	[tilespmem:s14], [sflag:$0x1] =	stream.indirect.gather [spmem:s2], $0x40, s22, s13, $0xb8;
	[tilespmem:$0x1E400] =	vst v63  }
0x109: {  	_ =	swait.ge [sflag:s15], $0x8000  }
0x10a: {  	[sflag:s15] =	ssyncset.done $0x0  }
0x10b: {  	[sflag:s15] =	ssyncadd.s32 $0xFFFF8000  }
0x10c: {  	[spmem:s3] =	stream.indirect.scatter.add.f32 [tilespmem:s14], [sflag:$0x2], $0x40, s23, s13, $0xb8;
	[tilespmem:$0x1E400] =	vst v63  }
0x10d: {  	_ =	swait.ge [sflag:s6], $0x8000  }
0x10e: {  	[sflag:s6] =	ssyncset.done $0x0  }
0x10f: {  	[sflag:s6] =	ssyncadd.s32 $0xFFFF8000  }
0x110: {  	[tilespmem:s14], [sflag:$0x1] =	stream.indirect.gather [spmem:s2], $0x40, s24, s13, $0xb8;
	[tilespmem:$0x1E400] =	vst v63  }
0x111: {  	_ =	swait.ge [sflag:s15], $0x8000  }
0x112: {  	[sflag:s15] =	ssyncset.done $0x0  }
0x113: {  	[sflag:s15] =	ssyncadd.s32 $0xFFFF8000  }
0x114: {  	[spmem:s3] =	stream.indirect.scatter.add.f32 [tilespmem:s14], [sflag:$0x2], $0x40, s25, s13, $0xb8;
	[tilespmem:$0x1E400] =	vst v63  }
0x115: {  	_ =	swait.ge [sflag:s6], $0x8000  }
0x116: {  	[sflag:s6] =	ssyncset.done $0x0  }
0x117: {  	[sflag:s6] =	ssyncadd.s32 $0xFFFF8000  }
0x118: {  	[tilespmem:s14], [sflag:$0x1] =	stream.indirect.gather [spmem:s2], $0x40, s26, s13, $0xb8;
	[tilespmem:$0x1E400] =	vst v63  }
0x119: {  	_ =	swait.ge [sflag:s15], $0x8000  }
0x11a: {  	[sflag:s15] =	ssyncset.done $0x0  }
0x11b: {  	[sflag:s15] =	ssyncadd.s32 $0xFFFF8000  }
0x11c: {  	[spmem:s3] =	stream.indirect.scatter.add.f32 [tilespmem:s14], [sflag:$0x2], $0x40, s28, s13, $0xb8;
	[tilespmem:$0x1E400] =	vst v63  }
0x11d: {  	_ =	swait.ge [sflag:s6], $0x8000  }
0x11e: {  	[sflag:s6] =	ssyncset.done $0x0  }
0x11f: {  	[sflag:s6] =	ssyncadd.s32 $0xFFFF8000  }
0x120: {  	[tilespmem:s14], [sflag:$0x1] =	stream.indirect.gather [spmem:s2], $0x40, s29, s13, $0xb8;
	[tilespmem:$0x1E400] =	vst v63  }
0x121: {  	_ =	swait.ge [sflag:s15], $0x8000  }
0x122: {  	[sflag:s15] =	ssyncset.done $0x0  }
0x123: {  	[sflag:s15] =	ssyncadd.s32 $0xFFFF8000  }
0x124: {  	[spmem:s3] =	stream.indirect.scatter.add.f32 [tilespmem:s14], [sflag:$0x2], $0x40, s30, s13, $0xb8;
	[tilespmem:$0x1E400] =	vst v63  }
0x125: {  	_ =	swait.ge [sflag:s6], $0x8000  }
0x126: {  	[sflag:s6] =	ssyncset.done $0x0  }
0x127: {  	s28 =	simm.s32 $0x1200;
	[sflag:s6] =	ssyncadd.s32 $0xFFFF8000  }
0x128: {  	[tilespmem:s14], [sflag:$0x1] =	stream.indirect.gather [spmem:s2], $0x40, s28, s13, $0xb8;
	[tilespmem:$0x1E400] =	vst v63  }
0x129: {  	_ =	swait.ge [sflag:s15], $0x8000  }
0x12a: {  	[sflag:s15] =	ssyncset.done $0x0  }
0x12b: {  	s30 =	simm.s32 $0x2600;
	[sflag:s15] =	ssyncadd.s32 $0xFFFF8000  }
0x12c: {  	[spmem:s3] =	stream.indirect.scatter.add.f32 [tilespmem:s14], [sflag:$0x2], $0x40, s30, s13, $0xb8;
	[tilespmem:$0x1E400] =	vst v63  }
0x12d: {  	_ =	swait.ge [sflag:s6], $0x8000  }
0x12e: {  	[sflag:s6] =	ssyncset.done $0x0  }
0x12f: {  	[dreg:$0xf] =	wrdreg s4;
	[sflag:s6] =	ssyncadd.s32 $0xFFFF8000  }
0x130: {  	[tilespmem:s31], [sflag:$0x2] =	stream.linear.gather [hbm4b:s4+s31], $0x1400, $0x38;
	[tilespmem:$0x1E400] =	vst v63  }
0x131: {  	_ =	swait.ge [sflag:s6], $0x1400  }
0x132: {  	[sflag:s6] =	ssyncset.done $0x0  }
0x133: {  	[dreg:$0x10] =	wrdreg s7;
	[sflag:s6] =	ssyncadd.s32 $0xFFFFEC00  }
0x134: {  	[tilespmem:s0], [sflag:$0x2] =	stream.linear.gather [hbm4b:s7+s31], $0x1400, $0x38;
	[tilespmem:$0x1E400] =	vst v63  }
0x135: {  	_ =	swait.ge [sflag:s6], $0x1400  }
0x136: {  	[sflag:s6] =	ssyncset.done $0x0  }
0x137: {  	[sflag:s6] =	ssyncadd.s32 $0xFFFFEC00  }
0x138: {  	[tilespmem:s14], [sflag:$0x1] =	stream.indirect.gather [spmem:s2], $0x40, s31, s13, $0xb8;
	[tilespmem:$0x1E400] =	vst v63  }
0x139: {  	_ =	swait.ge [sflag:s15], $0x8000  }
0x13a: {  	[sflag:s15] =	ssyncset.done $0x0  }
0x13b: {  	[sflag:s15] =	ssyncadd.s32 $0xFFFF8000  }
0x13c: {  	[spmem:s3] =	stream.indirect.scatter.add.f32 [tilespmem:s14], [sflag:$0x2], $0x40, s0, s13, $0xb8;
	[tilespmem:$0x1E400] =	vst v63  }
0x13d: {  	_ =	swait.ge [sflag:s6], $0x8000  }
0x13e: {  	[sflag:s6] =	ssyncset.done $0x0  }
0x13f: {  	[sflag:s6] =	ssyncadd.s32 $0xFFFF8000  }
0x140: {  	[tilespmem:s14], [sflag:$0x1] =	stream.indirect.gather [spmem:s2], $0x40, s13, s13, $0xb8;
	[tilespmem:$0x1E400] =	vst v63  }
0x141: {  	_ =	swait.ge [sflag:s15], $0x8000  }
0x142: {  	[sflag:s15] =	ssyncset.done $0x0  }
0x143: {  	[sflag:s15] =	ssyncadd.s32 $0xFFFF8000  }
0x144: {  	[spmem:s3] =	stream.indirect.scatter.add.f32 [tilespmem:s14], [sflag:$0x2], $0x40, s10, s13, $0xb8;
	[tilespmem:$0x1E400] =	vst v63  }
0x145: {  	_ =	swait.ge [sflag:s6], $0x8000  }
0x146: {  	[sflag:s6] =	ssyncset.done $0x0  }
0x147: {  	s1 =	simm.s32 $0x400;
	[sflag:s6] =	ssyncadd.s32 $0xFFFF8000  }
0x148: {  	[tilespmem:s14], [sflag:$0x1] =	stream.indirect.gather [spmem:s2], $0x40, s1, s13, $0xb8;
	[tilespmem:$0x1E400] =	vst v63  }
0x149: {  	_ =	swait.ge [sflag:s15], $0x8000  }
0x14a: {  	[sflag:s15] =	ssyncset.done $0x0  }
0x14b: {  	s8 =	simm.s32 $0x1800;
	[sflag:s15] =	ssyncadd.s32 $0xFFFF8000  }
0x14c: {  	[spmem:s3] =	stream.indirect.scatter.add.f32 [tilespmem:s14], [sflag:$0x2], $0x40, s8, s13, $0xb8;
	[tilespmem:$0x1E400] =	vst v63  }
0x14d: {  	_ =	swait.ge [sflag:s6], $0x8000  }
0x14e: {  	[sflag:s6] =	ssyncset.done $0x0  }
0x14f: {  	s9 =	simm.s32 $0x600;
	[sflag:s6] =	ssyncadd.s32 $0xFFFF8000  }
0x150: {  	[tilespmem:s14], [sflag:$0x1] =	stream.indirect.gather [spmem:s2], $0x40, s9, s13, $0xb8;
	[tilespmem:$0x1E400] =	vst v63  }
0x151: {  	_ =	swait.ge [sflag:s15], $0x8000  }
0x152: {  	[sflag:s15] =	ssyncset.done $0x0  }
0x153: {  	s11 =	simm.s32 $0x1A00;
	[sflag:s15] =	ssyncadd.s32 $0xFFFF8000  }
0x154: {  	[spmem:s3] =	stream.indirect.scatter.add.f32 [tilespmem:s14], [sflag:$0x2], $0x40, s11, s13, $0xb8;
	[tilespmem:$0x1E400] =	vst v63  }
0x155: {  	_ =	swait.ge [sflag:s6], $0x8000  }
0x156: {  	[sflag:s6] =	ssyncset.done $0x0  }
0x157: {  	s16 =	simm.s32 $0x800;
	[sflag:s6] =	ssyncadd.s32 $0xFFFF8000  }
0x158: {  	[tilespmem:s14], [sflag:$0x1] =	stream.indirect.gather [spmem:s2], $0x40, s16, s13, $0xb8;
	[tilespmem:$0x1E400] =	vst v63  }
0x159: {  	_ =	swait.ge [sflag:s15], $0x8000  }
0x15a: {  	[sflag:s15] =	ssyncset.done $0x0  }
0x15b: {  	s17 =	simm.s32 $0x1C00;
	[sflag:s15] =	ssyncadd.s32 $0xFFFF8000  }
0x15c: {  	[spmem:s3] =	stream.indirect.scatter.add.f32 [tilespmem:s14], [sflag:$0x2], $0x40, s17, s13, $0xb8;
	[tilespmem:$0x1E400] =	vst v63  }
0x15d: {  	_ =	swait.ge [sflag:s6], $0x8000  }
0x15e: {  	[sflag:s6] =	ssyncset.done $0x0  }
0x15f: {  	s18 =	simm.s32 $0xA00;
	[sflag:s6] =	ssyncadd.s32 $0xFFFF8000  }
0x160: {  	[tilespmem:s14], [sflag:$0x1] =	stream.indirect.gather [spmem:s2], $0x40, s18, s13, $0xb8;
	[tilespmem:$0x1E400] =	vst v63  }
0x161: {  	_ =	swait.ge [sflag:s15], $0x8000  }
0x162: {  	[sflag:s15] =	ssyncset.done $0x0  }
0x163: {  	s19 =	simm.s32 $0x1E00;
	[sflag:s15] =	ssyncadd.s32 $0xFFFF8000  }
0x164: {  	[spmem:s3] =	stream.indirect.scatter.add.f32 [tilespmem:s14], [sflag:$0x2], $0x40, s19, s13, $0xb8;
	[tilespmem:$0x1E400] =	vst v63  }
0x165: {  	_ =	swait.ge [sflag:s6], $0x8000  }
0x166: {  	[sflag:s6] =	ssyncset.done $0x0  }
0x167: {  	s20 =	simm.s32 $0xC00;
	[sflag:s6] =	ssyncadd.s32 $0xFFFF8000  }
0x168: {  	[tilespmem:s14], [sflag:$0x1] =	stream.indirect.gather [spmem:s2], $0x40, s20, s13, $0xb8;
	[tilespmem:$0x1E400] =	vst v63  }
0x169: {  	_ =	swait.ge [sflag:s15], $0x8000  }
0x16a: {  	[sflag:s15] =	ssyncset.done $0x0  }
0x16b: {  	s21 =	simm.s32 $0x2000;
	[sflag:s15] =	ssyncadd.s32 $0xFFFF8000  }
0x16c: {  	[spmem:s3] =	stream.indirect.scatter.add.f32 [tilespmem:s14], [sflag:$0x2], $0x40, s21, s13, $0xb8;
	[tilespmem:$0x1E400] =	vst v63  }
0x16d: {  	_ =	swait.ge [sflag:s6], $0x8000  }
0x16e: {  	[sflag:s6] =	ssyncset.done $0x0  }
0x16f: {  	s22 =	simm.s32 $0xE00;
	[sflag:s6] =	ssyncadd.s32 $0xFFFF8000  }
0x170: {  	[tilespmem:s14], [sflag:$0x1] =	stream.indirect.gather [spmem:s2], $0x40, s22, s13, $0xb8;
	[tilespmem:$0x1E400] =	vst v63  }
0x171: {  	_ =	swait.ge [sflag:s15], $0x8000  }
0x172: {  	[sflag:s15] =	ssyncset.done $0x0  }
0x173: {  	s23 =	simm.s32 $0x2200;
	[sflag:s15] =	ssyncadd.s32 $0xFFFF8000  }
0x174: {  	[spmem:s3] =	stream.indirect.scatter.add.f32 [tilespmem:s14], [sflag:$0x2], $0x40, s23, s13, $0xb8;
	[tilespmem:$0x1E400] =	vst v63  }
0x175: {  	_ =	swait.ge [sflag:s6], $0x8000  }
0x176: {  	[sflag:s6] =	ssyncset.done $0x0  }
0x177: {  	s24 =	simm.s32 $0x1000;
	[sflag:s6] =	ssyncadd.s32 $0xFFFF8000  }
0x178: {  	[tilespmem:s14], [sflag:$0x1] =	stream.indirect.gather [spmem:s2], $0x40, s24, s13, $0xb8;
	[tilespmem:$0x1E400] =	vst v63  }
0x179: {  	_ =	swait.ge [sflag:s15], $0x8000  }
0x17a: {  	[sflag:s15] =	ssyncset.done $0x0  }
0x17b: {  	s25 =	simm.s32 $0x2400;
	[sflag:s15] =	ssyncadd.s32 $0xFFFF8000  }
0x17c: {  	[spmem:s3] =	stream.indirect.scatter.add.f32 [tilespmem:s14], [sflag:$0x2], $0x40, s25, s13, $0xb8;
	[tilespmem:$0x1E400] =	vst v63  }
0x17d: {  	_ =	swait.ge [sflag:s6], $0x8000  }
0x17e: {  	[sflag:s6] =	ssyncset.done $0x0  }
0x17f: {  	s29 =	simm.s32 $0x1200;
	[sflag:s6] =	ssyncadd.s32 $0xFFFF8000  }
0x180: {  	[tilespmem:s14], [sflag:$0x1] =	stream.indirect.gather [spmem:s2], $0x40, s29, s13, $0xb8;
	[tilespmem:$0x1E400] =	vst v63  }
0x181: {  	_ =	swait.ge [sflag:s15], $0x8000  }
0x182: {  	[sflag:s15] =	ssyncset.done $0x0  }
0x183: {  	[sflag:s15] =	ssyncadd.s32 $0xFFFF8000  }
0x184: {  	[spmem:s3] =	stream.indirect.scatter.add.f32 [tilespmem:s14], [sflag:$0x2], $0x40, s30, s13, $0xb8;
	[tilespmem:$0x1E400] =	vst v63  }
0x185: {  	_ =	swait.ge [sflag:s6], $0x8000  }
0x186: {  	[sflag:s6] =	ssyncset.done $0x0  }
0x187: {  	[sflag:s6] =	ssyncadd.s32 $0xFFFF8000  }
0x188: {  	[bflag:$0x0] =	sbarrier.arrive $0xFFFF  }
0x189: {  	s29 =	rddreg [dreg:$0x12]  }
0x18a: {  	s0 =	ssub.s32 $0x2, s29  }
0x18b: {  	s31 =	sshrl.u32 s0, $0x1  }
0x18c: {  	s10 =	ssub.s32 s0, s31  }
0x18d: {  	s10 =	smax.u32 s10, $0x1  }
0x18e: {  	p0 =	sne.s32 s10, $0x1  }
.Ltmp0:
0x18f: {  	s30 =	rddreg [dreg:$0x9];
	(pc) =	sbr.rel @!p0 .LBB2_3-.Ltmp0, $4  }
0x190: {  	[dreg:$0xe] =	wrdreg s12  }
0x191: {  	[dreg:$0x11] =	wrdreg s5  }
0x192: {  	[hbm:s30], [sflag:s5] =	dma.local [spmem:s12], $0x13C0  }
0x193: {  	_ =	swait.ge [sflag:s6], $0x13C0;
	s10 =	sadd.s32 $0xFFFFFFFF, s10  }
0x194: {  	s5 =	simm.s32 $0x0;
	s4 =	simm.s32 $0x1400  }
.LBB2_2:
0x195: {  	s11 =	rddreg [dreg:$0x6]  }
0x196: {  	[sflag:s6] =	ssyncset.done $0x0;
	s16 =	rddreg [dreg:$0xa]  }
0x197: {  	s0 =	rddreg [dreg:$0x11];
	[sflag:s6] =	ssyncadd.s32 $0xFFFFEC40  }
0x198: {  	[spmem:s16], [sflag:s0] =	dma.local [hbm:s11], $0x13C0  }
0x199: {  	_ =	swait.ge [sflag:s6], $0x13C0  }
0x19a: {  	[sflag:s6] =	ssyncset.done $0x0;
	s17 =	rddreg [dreg:$0xb]  }
0x19b: {  	s12 =	rddreg [dreg:$0xe];
	[sflag:s6] =	ssyncadd.s32 $0xFFFFEC40  }
0x19c: {  	[spmem:s12], [sflag:s0] =	dma.local [hbm:s17], $0x13C0  }
0x19d: {  	_ =	swait.ge [sflag:s6], $0x13C0  }
0x19e: {  	[sflag:s6] =	ssyncset.done $0x0  }
0x19f: {  	[sflag:s6] =	ssyncadd.s32 $0xFFFFEC40  }
0x1a0: {  	[bflag:$0x0] =	sbarrier.arrive $0xFFFF  }
0x1a1: {  	s18 =	rddreg [dreg:$0xc]  }
0x1a2: {  	[tilespmem:s5], [sflag:$0x2] =	stream.linear.gather [hbm4b:s18+s5], $0x1400, $0x38;
	[tilespmem:$0x1E400] =	vst v63  }
0x1a3: {  	_ =	swait.ge [sflag:s6], $0x1400  }
0x1a4: {  	[sflag:s6] =	ssyncset.done $0x0  }
0x1a5: {  	s19 =	rddreg [dreg:$0xd];
	[sflag:s6] =	ssyncadd.s32 $0xFFFFEC00  }
0x1a6: {  	[tilespmem:s4], [sflag:$0x2] =	stream.linear.gather [hbm4b:s19+s5], $0x1400, $0x38;
	[tilespmem:$0x1E400] =	vst v63  }
0x1a7: {  	_ =	swait.ge [sflag:s6], $0x1400  }
0x1a8: {  	[sflag:s6] =	ssyncset.done $0x0  }
0x1a9: {  	[sflag:s6] =	ssyncadd.s32 $0xFFFFEC00  }
0x1aa: {  	[tilespmem:s14], [sflag:$0x1] =	stream.indirect.gather [spmem:s2], $0x40, s5, s13, $0xb8;
	[tilespmem:$0x1E400] =	vst v63  }
0x1ab: {  	_ =	swait.ge [sflag:s15], $0x8000  }
0x1ac: {  	[sflag:s15] =	ssyncset.done $0x0  }
0x1ad: {  	[sflag:s15] =	ssyncadd.s32 $0xFFFF8000  }
0x1ae: {  	[spmem:s3] =	stream.indirect.scatter.add.f32 [tilespmem:s14], [sflag:$0x2], $0x40, s4, s13, $0xb8;
	[tilespmem:$0x1E400] =	vst v63  }
0x1af: {  	_ =	swait.ge [sflag:s6], $0x8000  }
0x1b0: {  	[sflag:s6] =	ssyncset.done $0x0  }
0x1b1: {  	[sflag:s6] =	ssyncadd.s32 $0xFFFF8000  }
0x1b2: {  	[tilespmem:s14], [sflag:$0x1] =	stream.indirect.gather [spmem:s2], $0x40, s13, s13, $0xb8;
	[tilespmem:$0x1E400] =	vst v63  }
0x1b3: {  	_ =	swait.ge [sflag:s15], $0x8000  }
0x1b4: {  	[sflag:s15] =	ssyncset.done $0x0  }
0x1b5: {  	s1 =	simm.s32 $0x1600;
	[sflag:s15] =	ssyncadd.s32 $0xFFFF8000  }
0x1b6: {  	[spmem:s3] =	stream.indirect.scatter.add.f32 [tilespmem:s14], [sflag:$0x2], $0x40, s1, s13, $0xb8;
	[tilespmem:$0x1E400] =	vst v63  }
0x1b7: {  	_ =	swait.ge [sflag:s6], $0x8000  }
0x1b8: {  	[sflag:s6] =	ssyncset.done $0x0  }
0x1b9: {  	s29 =	simm.s32 $0x400;
	[sflag:s6] =	ssyncadd.s32 $0xFFFF8000  }
0x1ba: {  	[tilespmem:s14], [sflag:$0x1] =	stream.indirect.gather [spmem:s2], $0x40, s29, s13, $0xb8;
	[tilespmem:$0x1E400] =	vst v63  }
0x1bb: {  	_ =	swait.ge [sflag:s15], $0x8000  }
0x1bc: {  	[sflag:s15] =	ssyncset.done $0x0  }
0x1bd: {  	s30 =	simm.s32 $0x1800;
	[sflag:s15] =	ssyncadd.s32 $0xFFFF8000  }
0x1be: {  	[spmem:s3] =	stream.indirect.scatter.add.f32 [tilespmem:s14], [sflag:$0x2], $0x40, s30, s13, $0xb8;
	[tilespmem:$0x1E400] =	vst v63  }
0x1bf: {  	_ =	swait.ge [sflag:s6], $0x8000  }
0x1c0: {  	[sflag:s6] =	ssyncset.done $0x0  }
0x1c1: {  	s31 =	simm.s32 $0x600;
	[sflag:s6] =	ssyncadd.s32 $0xFFFF8000  }
0x1c2: {  	[tilespmem:s14], [sflag:$0x1] =	stream.indirect.gather [spmem:s2], $0x40, s31, s13, $0xb8;
	[tilespmem:$0x1E400] =	vst v63  }
0x1c3: {  	_ =	swait.ge [sflag:s15], $0x8000  }
0x1c4: {  	[sflag:s15] =	ssyncset.done $0x0  }
0x1c5: {  	s7 =	simm.s32 $0x1A00;
	[sflag:s15] =	ssyncadd.s32 $0xFFFF8000  }
0x1c6: {  	[spmem:s3] =	stream.indirect.scatter.add.f32 [tilespmem:s14], [sflag:$0x2], $0x40, s7, s13, $0xb8;
	[tilespmem:$0x1E400] =	vst v63  }
0x1c7: {  	_ =	swait.ge [sflag:s6], $0x8000  }
0x1c8: {  	[sflag:s6] =	ssyncset.done $0x0  }
0x1c9: {  	s8 =	simm.s32 $0x800;
	[sflag:s6] =	ssyncadd.s32 $0xFFFF8000  }
0x1ca: {  	[tilespmem:s14], [sflag:$0x1] =	stream.indirect.gather [spmem:s2], $0x40, s8, s13, $0xb8;
	[tilespmem:$0x1E400] =	vst v63  }
0x1cb: {  	_ =	swait.ge [sflag:s15], $0x8000  }
0x1cc: {  	[sflag:s15] =	ssyncset.done $0x0  }
0x1cd: {  	s9 =	simm.s32 $0x1C00;
	[sflag:s15] =	ssyncadd.s32 $0xFFFF8000  }
0x1ce: {  	[spmem:s3] =	stream.indirect.scatter.add.f32 [tilespmem:s14], [sflag:$0x2], $0x40, s9, s13, $0xb8;
	[tilespmem:$0x1E400] =	vst v63  }
0x1cf: {  	_ =	swait.ge [sflag:s6], $0x8000  }
0x1d0: {  	[sflag:s6] =	ssyncset.done $0x0  }
0x1d1: {  	s11 =	simm.s32 $0xA00;
	[sflag:s6] =	ssyncadd.s32 $0xFFFF8000  }
0x1d2: {  	[tilespmem:s14], [sflag:$0x1] =	stream.indirect.gather [spmem:s2], $0x40, s11, s13, $0xb8;
	[tilespmem:$0x1E400] =	vst v63  }
0x1d3: {  	_ =	swait.ge [sflag:s15], $0x8000  }
0x1d4: {  	[sflag:s15] =	ssyncset.done $0x0  }
0x1d5: {  	s20 =	simm.s32 $0x1E00;
	[sflag:s15] =	ssyncadd.s32 $0xFFFF8000  }
0x1d6: {  	[spmem:s3] =	stream.indirect.scatter.add.f32 [tilespmem:s14], [sflag:$0x2], $0x40, s20, s13, $0xb8;
	[tilespmem:$0x1E400] =	vst v63  }
0x1d7: {  	_ =	swait.ge [sflag:s6], $0x8000  }
0x1d8: {  	[sflag:s6] =	ssyncset.done $0x0  }
0x1d9: {  	s21 =	simm.s32 $0xC00;
	[sflag:s6] =	ssyncadd.s32 $0xFFFF8000  }
0x1da: {  	[tilespmem:s14], [sflag:$0x1] =	stream.indirect.gather [spmem:s2], $0x40, s21, s13, $0xb8;
	[tilespmem:$0x1E400] =	vst v63  }
0x1db: {  	_ =	swait.ge [sflag:s15], $0x8000  }
0x1dc: {  	[sflag:s15] =	ssyncset.done $0x0  }
0x1dd: {  	s7 =	simm.s32 $0x2000;
	[sflag:s15] =	ssyncadd.s32 $0xFFFF8000  }
0x1de: {  	[spmem:s3] =	stream.indirect.scatter.add.f32 [tilespmem:s14], [sflag:$0x2], $0x40, s7, s13, $0xb8;
	[tilespmem:$0x1E400] =	vst v63  }
0x1df: {  	_ =	swait.ge [sflag:s6], $0x8000  }
0x1e0: {  	[sflag:s6] =	ssyncset.done $0x0  }
0x1e1: {  	s8 =	simm.s32 $0xE00;
	[sflag:s6] =	ssyncadd.s32 $0xFFFF8000  }
0x1e2: {  	[tilespmem:s14], [sflag:$0x1] =	stream.indirect.gather [spmem:s2], $0x40, s8, s13, $0xb8;
	[tilespmem:$0x1E400] =	vst v63  }
0x1e3: {  	_ =	swait.ge [sflag:s15], $0x8000  }
0x1e4: {  	[sflag:s15] =	ssyncset.done $0x0  }
0x1e5: {  	s9 =	simm.s32 $0x2200;
	[sflag:s15] =	ssyncadd.s32 $0xFFFF8000  }
0x1e6: {  	[spmem:s3] =	stream.indirect.scatter.add.f32 [tilespmem:s14], [sflag:$0x2], $0x40, s9, s13, $0xb8;
	[tilespmem:$0x1E400] =	vst v63  }
0x1e7: {  	_ =	swait.ge [sflag:s6], $0x8000  }
0x1e8: {  	[sflag:s6] =	ssyncset.done $0x0  }
0x1e9: {  	s20 =	simm.s32 $0x1000;
	[sflag:s6] =	ssyncadd.s32 $0xFFFF8000  }
0x1ea: {  	[tilespmem:s14], [sflag:$0x1] =	stream.indirect.gather [spmem:s2], $0x40, s20, s13, $0xb8;
	[tilespmem:$0x1E400] =	vst v63  }
0x1eb: {  	_ =	swait.ge [sflag:s15], $0x8000  }
0x1ec: {  	[sflag:s15] =	ssyncset.done $0x0  }
0x1ed: {  	s21 =	simm.s32 $0x2400;
	[sflag:s15] =	ssyncadd.s32 $0xFFFF8000  }
0x1ee: {  	[spmem:s3] =	stream.indirect.scatter.add.f32 [tilespmem:s14], [sflag:$0x2], $0x40, s21, s13, $0xb8;
	[tilespmem:$0x1E400] =	vst v63  }
0x1ef: {  	_ =	swait.ge [sflag:s6], $0x8000  }
0x1f0: {  	[sflag:s6] =	ssyncset.done $0x0  }
0x1f1: {  	s7 =	simm.s32 $0x1200;
	[sflag:s6] =	ssyncadd.s32 $0xFFFF8000  }
0x1f2: {  	[tilespmem:s14], [sflag:$0x1] =	stream.indirect.gather [spmem:s2], $0x40, s7, s13, $0xb8;
	[tilespmem:$0x1E400] =	vst v63  }
0x1f3: {  	_ =	swait.ge [sflag:s15], $0x8000  }
0x1f4: {  	[sflag:s15] =	ssyncset.done $0x0  }
0x1f5: {  	s9 =	simm.s32 $0x2600;
	[sflag:s15] =	ssyncadd.s32 $0xFFFF8000  }
0x1f6: {  	[spmem:s3] =	stream.indirect.scatter.add.f32 [tilespmem:s14], [sflag:$0x2], $0x40, s9, s13, $0xb8;
	[tilespmem:$0x1E400] =	vst v63  }
0x1f7: {  	_ =	swait.ge [sflag:s6], $0x8000  }
0x1f8: {  	[sflag:s6] =	ssyncset.done $0x0  }
0x1f9: {  	s1 =	rddreg [dreg:$0xf];
	[sflag:s6] =	ssyncadd.s32 $0xFFFF8000  }
0x1fa: {  	[tilespmem:s5], [sflag:$0x2] =	stream.linear.gather [hbm4b:s1+s5], $0x1400, $0x38;
	[tilespmem:$0x1E400] =	vst v63  }
0x1fb: {  	_ =	swait.ge [sflag:s6], $0x1400  }
0x1fc: {  	[sflag:s6] =	ssyncset.done $0x0  }
0x1fd: {  	s7 =	rddreg [dreg:$0x10];
	[sflag:s6] =	ssyncadd.s32 $0xFFFFEC00  }
0x1fe: {  	[tilespmem:s4], [sflag:$0x2] =	stream.linear.gather [hbm4b:s7+s5], $0x1400, $0x38;
	[tilespmem:$0x1E400] =	vst v63  }
0x1ff: {  	_ =	swait.ge [sflag:s6], $0x1400  }
0x200: {  	[sflag:s6] =	ssyncset.done $0x0  }
0x201: {  	[sflag:s6] =	ssyncadd.s32 $0xFFFFEC00  }
0x202: {  	[tilespmem:s14], [sflag:$0x1] =	stream.indirect.gather [spmem:s2], $0x40, s5, s13, $0xb8;
	[tilespmem:$0x1E400] =	vst v63  }
0x203: {  	_ =	swait.ge [sflag:s15], $0x8000  }
0x204: {  	[sflag:s15] =	ssyncset.done $0x0  }
0x205: {  	[sflag:s15] =	ssyncadd.s32 $0xFFFF8000  }
0x206: {  	[spmem:s3] =	stream.indirect.scatter.add.f32 [tilespmem:s14], [sflag:$0x2], $0x40, s4, s13, $0xb8;
	[tilespmem:$0x1E400] =	vst v63  }
0x207: {  	_ =	swait.ge [sflag:s6], $0x8000  }
0x208: {  	[sflag:s6] =	ssyncset.done $0x0  }
0x209: {  	[sflag:s6] =	ssyncadd.s32 $0xFFFF8000  }
0x20a: {  	[tilespmem:s14], [sflag:$0x1] =	stream.indirect.gather [spmem:s2], $0x40, s13, s13, $0xb8;
	[tilespmem:$0x1E400] =	vst v63  }
0x20b: {  	_ =	swait.ge [sflag:s15], $0x8000  }
0x20c: {  	[sflag:s15] =	ssyncset.done $0x0  }
0x20d: {  	s22 =	simm.s32 $0x1600;
	[sflag:s15] =	ssyncadd.s32 $0xFFFF8000  }
0x20e: {  	[spmem:s3] =	stream.indirect.scatter.add.f32 [tilespmem:s14], [sflag:$0x2], $0x40, s22, s13, $0xb8;
	[tilespmem:$0x1E400] =	vst v63  }
0x20f: {  	_ =	swait.ge [sflag:s6], $0x8000  }
0x210: {  	[sflag:s6] =	ssyncset.done $0x0  }
0x211: {  	s23 =	simm.s32 $0x400;
	[sflag:s6] =	ssyncadd.s32 $0xFFFF8000  }
0x212: {  	[tilespmem:s14], [sflag:$0x1] =	stream.indirect.gather [spmem:s2], $0x40, s23, s13, $0xb8;
	[tilespmem:$0x1E400] =	vst v63  }
0x213: {  	_ =	swait.ge [sflag:s15], $0x8000  }
0x214: {  	[sflag:s15] =	ssyncset.done $0x0  }
0x215: {  	s24 =	simm.s32 $0x1800;
	[sflag:s15] =	ssyncadd.s32 $0xFFFF8000  }
0x216: {  	[spmem:s3] =	stream.indirect.scatter.add.f32 [tilespmem:s14], [sflag:$0x2], $0x40, s24, s13, $0xb8;
	[tilespmem:$0x1E400] =	vst v63  }
0x217: {  	_ =	swait.ge [sflag:s6], $0x8000  }
0x218: {  	[sflag:s6] =	ssyncset.done $0x0  }
0x219: {  	s25 =	simm.s32 $0x600;
	[sflag:s6] =	ssyncadd.s32 $0xFFFF8000  }
0x21a: {  	[tilespmem:s14], [sflag:$0x1] =	stream.indirect.gather [spmem:s2], $0x40, s25, s13, $0xb8;
	[tilespmem:$0x1E400] =	vst v63  }
0x21b: {  	_ =	swait.ge [sflag:s15], $0x8000  }
0x21c: {  	[sflag:s15] =	ssyncset.done $0x0  }
0x21d: {  	s26 =	simm.s32 $0x1A00;
	[sflag:s15] =	ssyncadd.s32 $0xFFFF8000  }
0x21e: {  	[spmem:s3] =	stream.indirect.scatter.add.f32 [tilespmem:s14], [sflag:$0x2], $0x40, s26, s13, $0xb8;
	[tilespmem:$0x1E400] =	vst v63  }
0x21f: {  	_ =	swait.ge [sflag:s6], $0x8000  }
0x220: {  	[sflag:s6] =	ssyncset.done $0x0  }
0x221: {  	s28 =	simm.s32 $0x800;
	[sflag:s6] =	ssyncadd.s32 $0xFFFF8000  }
0x222: {  	[tilespmem:s14], [sflag:$0x1] =	stream.indirect.gather [spmem:s2], $0x40, s28, s13, $0xb8;
	[tilespmem:$0x1E400] =	vst v63  }
0x223: {  	_ =	swait.ge [sflag:s15], $0x8000  }
0x224: {  	[sflag:s15] =	ssyncset.done $0x0  }
0x225: {  	s29 =	simm.s32 $0x1C00;
	[sflag:s15] =	ssyncadd.s32 $0xFFFF8000  }
0x226: {  	[spmem:s3] =	stream.indirect.scatter.add.f32 [tilespmem:s14], [sflag:$0x2], $0x40, s29, s13, $0xb8;
	[tilespmem:$0x1E400] =	vst v63  }
0x227: {  	_ =	swait.ge [sflag:s6], $0x8000  }
0x228: {  	[sflag:s6] =	ssyncset.done $0x0  }
0x229: {  	s30 =	simm.s32 $0xA00;
	[sflag:s6] =	ssyncadd.s32 $0xFFFF8000  }
0x22a: {  	[tilespmem:s14], [sflag:$0x1] =	stream.indirect.gather [spmem:s2], $0x40, s30, s13, $0xb8;
	[tilespmem:$0x1E400] =	vst v63  }
0x22b: {  	_ =	swait.ge [sflag:s15], $0x8000  }
0x22c: {  	[sflag:s15] =	ssyncset.done $0x0  }
0x22d: {  	s31 =	simm.s32 $0x1E00;
	[sflag:s15] =	ssyncadd.s32 $0xFFFF8000  }
0x22e: {  	[spmem:s3] =	stream.indirect.scatter.add.f32 [tilespmem:s14], [sflag:$0x2], $0x40, s31, s13, $0xb8;
	[tilespmem:$0x1E400] =	vst v63  }
0x22f: {  	_ =	swait.ge [sflag:s6], $0x8000  }
0x230: {  	[sflag:s6] =	ssyncset.done $0x0  }
0x231: {  	s31 =	simm.s32 $0xC00;
	[sflag:s6] =	ssyncadd.s32 $0xFFFF8000  }
0x232: {  	[tilespmem:s14], [sflag:$0x1] =	stream.indirect.gather [spmem:s2], $0x40, s31, s13, $0xb8;
	[tilespmem:$0x1E400] =	vst v63  }
0x233: {  	_ =	swait.ge [sflag:s15], $0x8000  }
0x234: {  	[sflag:s15] =	ssyncset.done $0x0  }
0x235: {  	s31 =	simm.s32 $0x2000;
	[sflag:s15] =	ssyncadd.s32 $0xFFFF8000  }
0x236: {  	[spmem:s3] =	stream.indirect.scatter.add.f32 [tilespmem:s14], [sflag:$0x2], $0x40, s31, s13, $0xb8;
	[tilespmem:$0x1E400] =	vst v63  }
0x237: {  	_ =	swait.ge [sflag:s6], $0x8000  }
0x238: {  	[sflag:s6] =	ssyncset.done $0x0  }
0x239: {  	s11 =	simm.s32 $0xE00;
	[sflag:s6] =	ssyncadd.s32 $0xFFFF8000  }
0x23a: {  	[tilespmem:s14], [sflag:$0x1] =	stream.indirect.gather [spmem:s2], $0x40, s11, s13, $0xb8;
	[tilespmem:$0x1E400] =	vst v63  }
0x23b: {  	_ =	swait.ge [sflag:s15], $0x8000  }
0x23c: {  	[sflag:s15] =	ssyncset.done $0x0  }
0x23d: {  	s31 =	simm.s32 $0x2200;
	[sflag:s15] =	ssyncadd.s32 $0xFFFF8000  }
0x23e: {  	[spmem:s3] =	stream.indirect.scatter.add.f32 [tilespmem:s14], [sflag:$0x2], $0x40, s31, s13, $0xb8;
	[tilespmem:$0x1E400] =	vst v63  }
0x23f: {  	_ =	swait.ge [sflag:s6], $0x8000  }
0x240: {  	[sflag:s6] =	ssyncset.done $0x0  }
0x241: {  	s8 =	simm.s32 $0x1000;
	[sflag:s6] =	ssyncadd.s32 $0xFFFF8000  }
0x242: {  	[tilespmem:s14], [sflag:$0x1] =	stream.indirect.gather [spmem:s2], $0x40, s8, s13, $0xb8;
	[tilespmem:$0x1E400] =	vst v63  }
0x243: {  	_ =	swait.ge [sflag:s15], $0x8000  }
0x244: {  	[sflag:s15] =	ssyncset.done $0x0  }
0x245: {  	s20 =	simm.s32 $0x2400;
	[sflag:s15] =	ssyncadd.s32 $0xFFFF8000  }
0x246: {  	[spmem:s3] =	stream.indirect.scatter.add.f32 [tilespmem:s14], [sflag:$0x2], $0x40, s20, s13, $0xb8;
	[tilespmem:$0x1E400] =	vst v63  }
0x247: {  	_ =	swait.ge [sflag:s6], $0x8000  }
0x248: {  	[sflag:s6] =	ssyncset.done $0x0  }
0x249: {  	s21 =	simm.s32 $0x1200;
	[sflag:s6] =	ssyncadd.s32 $0xFFFF8000  }
0x24a: {  	[tilespmem:s14], [sflag:$0x1] =	stream.indirect.gather [spmem:s2], $0x40, s21, s13, $0xb8;
	[tilespmem:$0x1E400] =	vst v63  }
0x24b: {  	_ =	swait.ge [sflag:s15], $0x8000  }
0x24c: {  	[sflag:s15] =	ssyncset.done $0x0  }
0x24d: {  	s9 =	simm.s32 $0x2600;
	[sflag:s15] =	ssyncadd.s32 $0xFFFF8000  }
0x24e: {  	[spmem:s3] =	stream.indirect.scatter.add.f32 [tilespmem:s14], [sflag:$0x2], $0x40, s9, s13, $0xb8;
	[tilespmem:$0x1E400] =	vst v63  }
0x24f: {  	_ =	swait.ge [sflag:s6], $0x8000  }
0x250: {  	[sflag:s6] =	ssyncset.done $0x0  }
0x251: {  	[sflag:s6] =	ssyncadd.s32 $0xFFFF8000  }
0x252: {  	[bflag:$0x0] =	sbarrier.arrive $0xFFFF  }
0x253: {  	s9 =	rddreg [dreg:$0x7]  }
0x254: {  	[hbm:s9], [sflag:s0] =	dma.local [spmem:s12], $0x13C0  }
0x255: {  	_ =	swait.ge [sflag:s6], $0x13C0  }
0x256: {  	[sflag:s6] =	ssyncset.done $0x0  }
0x257: {  	s9 =	rddreg [dreg:$0x8];
	[sflag:s6] =	ssyncadd.s32 $0xFFFFEC40  }
0x258: {  	[spmem:s16], [sflag:s0] =	dma.local [hbm:s9], $0x13C0  }
0x259: {  	_ =	swait.ge [sflag:s6], $0x13C0  }
0x25a: {  	[sflag:s6] =	ssyncset.done $0x0  }
0x25b: {  	[sflag:s6] =	ssyncadd.s32 $0xFFFFEC40  }
0x25c: {  	[spmem:s12], [sflag:s0] =	dma.local [hbm:s17], $0x13C0  }
0x25d: {  	_ =	swait.ge [sflag:s6], $0x13C0  }
0x25e: {  	[sflag:s6] =	ssyncset.done $0x0  }
0x25f: {  	[sflag:s6] =	ssyncadd.s32 $0xFFFFEC40  }
0x260: {  	[bflag:$0x0] =	sbarrier.arrive $0xFFFF  }
0x261: {  	[tilespmem:s5], [sflag:$0x2] =	stream.linear.gather [hbm4b:s18+s5], $0x1400, $0x38;
	[tilespmem:$0x1E400] =	vst v63  }
0x262: {  	_ =	swait.ge [sflag:s6], $0x1400  }
0x263: {  	[sflag:s6] =	ssyncset.done $0x0  }
0x264: {  	[sflag:s6] =	ssyncadd.s32 $0xFFFFEC00  }
0x265: {  	[tilespmem:s4], [sflag:$0x2] =	stream.linear.gather [hbm4b:s19+s5], $0x1400, $0x38;
	[tilespmem:$0x1E400] =	vst v63  }
0x266: {  	_ =	swait.ge [sflag:s6], $0x1400  }
0x267: {  	[sflag:s6] =	ssyncset.done $0x0  }
0x268: {  	[sflag:s6] =	ssyncadd.s32 $0xFFFFEC00  }
0x269: {  	[tilespmem:s14], [sflag:$0x1] =	stream.indirect.gather [spmem:s2], $0x40, s5, s13, $0xb8;
	[tilespmem:$0x1E400] =	vst v63  }
0x26a: {  	_ =	swait.ge [sflag:s15], $0x8000  }
0x26b: {  	[sflag:s15] =	ssyncset.done $0x0  }
0x26c: {  	[sflag:s15] =	ssyncadd.s32 $0xFFFF8000  }
0x26d: {  	[spmem:s3] =	stream.indirect.scatter.add.f32 [tilespmem:s14], [sflag:$0x2], $0x40, s4, s13, $0xb8;
	[tilespmem:$0x1E400] =	vst v63  }
0x26e: {  	_ =	swait.ge [sflag:s6], $0x8000  }
0x26f: {  	[sflag:s6] =	ssyncset.done $0x0  }
0x270: {  	[sflag:s6] =	ssyncadd.s32 $0xFFFF8000  }
0x271: {  	[tilespmem:s14], [sflag:$0x1] =	stream.indirect.gather [spmem:s2], $0x40, s13, s13, $0xb8;
	[tilespmem:$0x1E400] =	vst v63  }
0x272: {  	_ =	swait.ge [sflag:s15], $0x8000  }
0x273: {  	[sflag:s15] =	ssyncset.done $0x0  }
0x274: {  	s19 =	simm.s32 $0x1600;
	[sflag:s15] =	ssyncadd.s32 $0xFFFF8000  }
0x275: {  	[spmem:s3] =	stream.indirect.scatter.add.f32 [tilespmem:s14], [sflag:$0x2], $0x40, s19, s13, $0xb8;
	[tilespmem:$0x1E400] =	vst v63  }
0x276: {  	_ =	swait.ge [sflag:s6], $0x8000  }
0x277: {  	[sflag:s6] =	ssyncset.done $0x0  }
0x278: {  	s17 =	simm.s32 $0x400;
	[sflag:s6] =	ssyncadd.s32 $0xFFFF8000  }
0x279: {  	[tilespmem:s14], [sflag:$0x1] =	stream.indirect.gather [spmem:s2], $0x40, s17, s13, $0xb8;
	[tilespmem:$0x1E400] =	vst v63  }
0x27a: {  	_ =	swait.ge [sflag:s15], $0x8000  }
0x27b: {  	[sflag:s15] =	ssyncset.done $0x0  }
0x27c: {  	s23 =	simm.s32 $0x1800;
	[sflag:s15] =	ssyncadd.s32 $0xFFFF8000  }
0x27d: {  	[spmem:s3] =	stream.indirect.scatter.add.f32 [tilespmem:s14], [sflag:$0x2], $0x40, s23, s13, $0xb8;
	[tilespmem:$0x1E400] =	vst v63  }
0x27e: {  	_ =	swait.ge [sflag:s6], $0x8000  }
0x27f: {  	[sflag:s6] =	ssyncset.done $0x0  }
0x280: {  	s24 =	simm.s32 $0x600;
	[sflag:s6] =	ssyncadd.s32 $0xFFFF8000  }
0x281: {  	[tilespmem:s14], [sflag:$0x1] =	stream.indirect.gather [spmem:s2], $0x40, s24, s13, $0xb8;
	[tilespmem:$0x1E400] =	vst v63  }
0x282: {  	_ =	swait.ge [sflag:s15], $0x8000  }
0x283: {  	[sflag:s15] =	ssyncset.done $0x0  }
0x284: {  	s25 =	simm.s32 $0x1A00;
	[sflag:s15] =	ssyncadd.s32 $0xFFFF8000  }
0x285: {  	[spmem:s3] =	stream.indirect.scatter.add.f32 [tilespmem:s14], [sflag:$0x2], $0x40, s25, s13, $0xb8;
	[tilespmem:$0x1E400] =	vst v63  }
0x286: {  	_ =	swait.ge [sflag:s6], $0x8000  }
0x287: {  	[sflag:s6] =	ssyncset.done $0x0  }
0x288: {  	s26 =	simm.s32 $0x800;
	[sflag:s6] =	ssyncadd.s32 $0xFFFF8000  }
0x289: {  	[tilespmem:s14], [sflag:$0x1] =	stream.indirect.gather [spmem:s2], $0x40, s26, s13, $0xb8;
	[tilespmem:$0x1E400] =	vst v63  }
0x28a: {  	_ =	swait.ge [sflag:s15], $0x8000  }
0x28b: {  	[sflag:s15] =	ssyncset.done $0x0  }
0x28c: {  	s28 =	simm.s32 $0x1C00;
	[sflag:s15] =	ssyncadd.s32 $0xFFFF8000  }
0x28d: {  	[spmem:s3] =	stream.indirect.scatter.add.f32 [tilespmem:s14], [sflag:$0x2], $0x40, s28, s13, $0xb8;
	[tilespmem:$0x1E400] =	vst v63  }
0x28e: {  	_ =	swait.ge [sflag:s6], $0x8000  }
0x28f: {  	[sflag:s6] =	ssyncset.done $0x0  }
0x290: {  	s29 =	simm.s32 $0xA00;
	[sflag:s6] =	ssyncadd.s32 $0xFFFF8000  }
0x291: {  	[tilespmem:s14], [sflag:$0x1] =	stream.indirect.gather [spmem:s2], $0x40, s29, s13, $0xb8;
	[tilespmem:$0x1E400] =	vst v63  }
0x292: {  	_ =	swait.ge [sflag:s15], $0x8000  }
0x293: {  	[sflag:s15] =	ssyncset.done $0x0  }
0x294: {  	s30 =	simm.s32 $0x1E00;
	[sflag:s15] =	ssyncadd.s32 $0xFFFF8000  }
0x295: {  	[spmem:s3] =	stream.indirect.scatter.add.f32 [tilespmem:s14], [sflag:$0x2], $0x40, s30, s13, $0xb8;
	[tilespmem:$0x1E400] =	vst v63  }
0x296: {  	_ =	swait.ge [sflag:s6], $0x8000  }
0x297: {  	[sflag:s6] =	ssyncset.done $0x0  }
0x298: {  	s18 =	simm.s32 $0xC00;
	[sflag:s6] =	ssyncadd.s32 $0xFFFF8000  }
0x299: {  	[tilespmem:s14], [sflag:$0x1] =	stream.indirect.gather [spmem:s2], $0x40, s18, s13, $0xb8;
	[tilespmem:$0x1E400] =	vst v63  }
0x29a: {  	_ =	swait.ge [sflag:s15], $0x8000  }
0x29b: {  	[sflag:s15] =	ssyncset.done $0x0  }
0x29c: {  	s19 =	simm.s32 $0x2000;
	[sflag:s15] =	ssyncadd.s32 $0xFFFF8000  }
0x29d: {  	[spmem:s3] =	stream.indirect.scatter.add.f32 [tilespmem:s14], [sflag:$0x2], $0x40, s19, s13, $0xb8;
	[tilespmem:$0x1E400] =	vst v63  }
0x29e: {  	_ =	swait.ge [sflag:s6], $0x8000  }
0x29f: {  	[sflag:s6] =	ssyncset.done $0x0  }
0x2a0: {  	s11 =	simm.s32 $0xE00;
	[sflag:s6] =	ssyncadd.s32 $0xFFFF8000  }
0x2a1: {  	[tilespmem:s14], [sflag:$0x1] =	stream.indirect.gather [spmem:s2], $0x40, s11, s13, $0xb8;
	[tilespmem:$0x1E400] =	vst v63  }
0x2a2: {  	_ =	swait.ge [sflag:s15], $0x8000  }
0x2a3: {  	[sflag:s15] =	ssyncset.done $0x0  }
0x2a4: {  	s22 =	simm.s32 $0x2200;
	[sflag:s15] =	ssyncadd.s32 $0xFFFF8000  }
0x2a5: {  	[spmem:s3] =	stream.indirect.scatter.add.f32 [tilespmem:s14], [sflag:$0x2], $0x40, s22, s13, $0xb8;
	[tilespmem:$0x1E400] =	vst v63  }
0x2a6: {  	_ =	swait.ge [sflag:s6], $0x8000  }
0x2a7: {  	[sflag:s6] =	ssyncset.done $0x0  }
0x2a8: {  	s31 =	simm.s32 $0x1000;
	[sflag:s6] =	ssyncadd.s32 $0xFFFF8000  }
0x2a9: {  	[tilespmem:s14], [sflag:$0x1] =	stream.indirect.gather [spmem:s2], $0x40, s31, s13, $0xb8;
	[tilespmem:$0x1E400] =	vst v63  }
0x2aa: {  	_ =	swait.ge [sflag:s15], $0x8000  }
0x2ab: {  	[sflag:s15] =	ssyncset.done $0x0  }
0x2ac: {  	s8 =	simm.s32 $0x2400;
	[sflag:s15] =	ssyncadd.s32 $0xFFFF8000  }
0x2ad: {  	[spmem:s3] =	stream.indirect.scatter.add.f32 [tilespmem:s14], [sflag:$0x2], $0x40, s8, s13, $0xb8;
	[tilespmem:$0x1E400] =	vst v63  }
0x2ae: {  	_ =	swait.ge [sflag:s6], $0x8000  }
0x2af: {  	[sflag:s6] =	ssyncset.done $0x0  }
0x2b0: {  	s20 =	simm.s32 $0x1200;
	[sflag:s6] =	ssyncadd.s32 $0xFFFF8000  }
0x2b1: {  	[tilespmem:s14], [sflag:$0x1] =	stream.indirect.gather [spmem:s2], $0x40, s20, s13, $0xb8;
	[tilespmem:$0x1E400] =	vst v63  }
0x2b2: {  	_ =	swait.ge [sflag:s15], $0x8000  }
0x2b3: {  	[sflag:s15] =	ssyncset.done $0x0  }
0x2b4: {  	s21 =	simm.s32 $0x2600;
	[sflag:s15] =	ssyncadd.s32 $0xFFFF8000  }
0x2b5: {  	[spmem:s3] =	stream.indirect.scatter.add.f32 [tilespmem:s14], [sflag:$0x2], $0x40, s21, s13, $0xb8;
	[tilespmem:$0x1E400] =	vst v63  }
0x2b6: {  	_ =	swait.ge [sflag:s6], $0x8000  }
0x2b7: {  	[sflag:s6] =	ssyncset.done $0x0  }
0x2b8: {  	[sflag:s6] =	ssyncadd.s32 $0xFFFF8000  }
0x2b9: {  	[tilespmem:s5], [sflag:$0x2] =	stream.linear.gather [hbm4b:s1+s5], $0x1400, $0x38;
	[tilespmem:$0x1E400] =	vst v63  }
0x2ba: {  	_ =	swait.ge [sflag:s6], $0x1400  }
0x2bb: {  	[sflag:s6] =	ssyncset.done $0x0  }
0x2bc: {  	[sflag:s6] =	ssyncadd.s32 $0xFFFFEC00  }
0x2bd: {  	[tilespmem:s4], [sflag:$0x2] =	stream.linear.gather [hbm4b:s7+s5], $0x1400, $0x38;
	[tilespmem:$0x1E400] =	vst v63  }
0x2be: {  	_ =	swait.ge [sflag:s6], $0x1400  }
0x2bf: {  	[sflag:s6] =	ssyncset.done $0x0  }
0x2c0: {  	[sflag:s6] =	ssyncadd.s32 $0xFFFFEC00  }
0x2c1: {  	[tilespmem:s14], [sflag:$0x1] =	stream.indirect.gather [spmem:s2], $0x40, s5, s13, $0xb8;
	[tilespmem:$0x1E400] =	vst v63  }
0x2c2: {  	_ =	swait.ge [sflag:s15], $0x8000  }
0x2c3: {  	[sflag:s15] =	ssyncset.done $0x0  }
0x2c4: {  	[sflag:s15] =	ssyncadd.s32 $0xFFFF8000  }
0x2c5: {  	[spmem:s3] =	stream.indirect.scatter.add.f32 [tilespmem:s14], [sflag:$0x2], $0x40, s4, s13, $0xb8;
	[tilespmem:$0x1E400] =	vst v63  }
0x2c6: {  	_ =	swait.ge [sflag:s6], $0x8000  }
0x2c7: {  	[sflag:s6] =	ssyncset.done $0x0  }
0x2c8: {  	[sflag:s6] =	ssyncadd.s32 $0xFFFF8000  }
0x2c9: {  	[tilespmem:s14], [sflag:$0x1] =	stream.indirect.gather [spmem:s2], $0x40, s13, s13, $0xb8;
	[tilespmem:$0x1E400] =	vst v63  }
0x2ca: {  	_ =	swait.ge [sflag:s15], $0x8000  }
0x2cb: {  	[sflag:s15] =	ssyncset.done $0x0  }
0x2cc: {  	s16 =	simm.s32 $0x1600;
	[sflag:s15] =	ssyncadd.s32 $0xFFFF8000  }
0x2cd: {  	[spmem:s3] =	stream.indirect.scatter.add.f32 [tilespmem:s14], [sflag:$0x2], $0x40, s16, s13, $0xb8;
	[tilespmem:$0x1E400] =	vst v63  }
0x2ce: {  	_ =	swait.ge [sflag:s6], $0x8000  }
0x2cf: {  	[sflag:s6] =	ssyncset.done $0x0  }
0x2d0: {  	[sflag:s6] =	ssyncadd.s32 $0xFFFF8000  }
0x2d1: {  	[tilespmem:s14], [sflag:$0x1] =	stream.indirect.gather [spmem:s2], $0x40, s17, s13, $0xb8;
	[tilespmem:$0x1E400] =	vst v63  }
0x2d2: {  	_ =	swait.ge [sflag:s15], $0x8000  }
0x2d3: {  	[sflag:s15] =	ssyncset.done $0x0  }
0x2d4: {  	[sflag:s15] =	ssyncadd.s32 $0xFFFF8000  }
0x2d5: {  	[spmem:s3] =	stream.indirect.scatter.add.f32 [tilespmem:s14], [sflag:$0x2], $0x40, s23, s13, $0xb8;
	[tilespmem:$0x1E400] =	vst v63  }
0x2d6: {  	_ =	swait.ge [sflag:s6], $0x8000  }
0x2d7: {  	[sflag:s6] =	ssyncset.done $0x0  }
0x2d8: {  	[sflag:s6] =	ssyncadd.s32 $0xFFFF8000  }
0x2d9: {  	[tilespmem:s14], [sflag:$0x1] =	stream.indirect.gather [spmem:s2], $0x40, s24, s13, $0xb8;
	[tilespmem:$0x1E400] =	vst v63  }
0x2da: {  	_ =	swait.ge [sflag:s15], $0x8000  }
0x2db: {  	[sflag:s15] =	ssyncset.done $0x0  }
0x2dc: {  	[sflag:s15] =	ssyncadd.s32 $0xFFFF8000  }
0x2dd: {  	[spmem:s3] =	stream.indirect.scatter.add.f32 [tilespmem:s14], [sflag:$0x2], $0x40, s25, s13, $0xb8;
	[tilespmem:$0x1E400] =	vst v63  }
0x2de: {  	_ =	swait.ge [sflag:s6], $0x8000  }
0x2df: {  	[sflag:s6] =	ssyncset.done $0x0  }
0x2e0: {  	[sflag:s6] =	ssyncadd.s32 $0xFFFF8000  }
0x2e1: {  	[tilespmem:s14], [sflag:$0x1] =	stream.indirect.gather [spmem:s2], $0x40, s26, s13, $0xb8;
	[tilespmem:$0x1E400] =	vst v63  }
0x2e2: {  	_ =	swait.ge [sflag:s15], $0x8000  }
0x2e3: {  	[sflag:s15] =	ssyncset.done $0x0  }
0x2e4: {  	[sflag:s15] =	ssyncadd.s32 $0xFFFF8000  }
0x2e5: {  	[spmem:s3] =	stream.indirect.scatter.add.f32 [tilespmem:s14], [sflag:$0x2], $0x40, s28, s13, $0xb8;
	[tilespmem:$0x1E400] =	vst v63  }
0x2e6: {  	_ =	swait.ge [sflag:s6], $0x8000  }
0x2e7: {  	[sflag:s6] =	ssyncset.done $0x0  }
0x2e8: {  	[sflag:s6] =	ssyncadd.s32 $0xFFFF8000  }
0x2e9: {  	[tilespmem:s14], [sflag:$0x1] =	stream.indirect.gather [spmem:s2], $0x40, s29, s13, $0xb8;
	[tilespmem:$0x1E400] =	vst v63  }
0x2ea: {  	_ =	swait.ge [sflag:s15], $0x8000  }
0x2eb: {  	[sflag:s15] =	ssyncset.done $0x0  }
0x2ec: {  	[sflag:s15] =	ssyncadd.s32 $0xFFFF8000  }
0x2ed: {  	[spmem:s3] =	stream.indirect.scatter.add.f32 [tilespmem:s14], [sflag:$0x2], $0x40, s30, s13, $0xb8;
	[tilespmem:$0x1E400] =	vst v63  }
0x2ee: {  	_ =	swait.ge [sflag:s6], $0x8000  }
0x2ef: {  	[sflag:s6] =	ssyncset.done $0x0  }
0x2f0: {  	[sflag:s6] =	ssyncadd.s32 $0xFFFF8000  }
0x2f1: {  	[tilespmem:s14], [sflag:$0x1] =	stream.indirect.gather [spmem:s2], $0x40, s18, s13, $0xb8;
	[tilespmem:$0x1E400] =	vst v63  }
0x2f2: {  	_ =	swait.ge [sflag:s15], $0x8000  }
0x2f3: {  	[sflag:s15] =	ssyncset.done $0x0  }
0x2f4: {  	[sflag:s15] =	ssyncadd.s32 $0xFFFF8000  }
0x2f5: {  	[spmem:s3] =	stream.indirect.scatter.add.f32 [tilespmem:s14], [sflag:$0x2], $0x40, s19, s13, $0xb8;
	[tilespmem:$0x1E400] =	vst v63  }
0x2f6: {  	_ =	swait.ge [sflag:s6], $0x8000  }
0x2f7: {  	[sflag:s6] =	ssyncset.done $0x0  }
0x2f8: {  	[sflag:s6] =	ssyncadd.s32 $0xFFFF8000  }
0x2f9: {  	[tilespmem:s14], [sflag:$0x1] =	stream.indirect.gather [spmem:s2], $0x40, s11, s13, $0xb8;
	[tilespmem:$0x1E400] =	vst v63  }
0x2fa: {  	_ =	swait.ge [sflag:s15], $0x8000  }
0x2fb: {  	[sflag:s15] =	ssyncset.done $0x0  }
0x2fc: {  	s9 =	simm.s32 $0x2200;
	[sflag:s15] =	ssyncadd.s32 $0xFFFF8000  }
0x2fd: {  	[spmem:s3] =	stream.indirect.scatter.add.f32 [tilespmem:s14], [sflag:$0x2], $0x40, s9, s13, $0xb8;
	[tilespmem:$0x1E400] =	vst v63  }
0x2fe: {  	_ =	swait.ge [sflag:s6], $0x8000  }
0x2ff: {  	[sflag:s6] =	ssyncset.done $0x0  }
0x300: {  	[sflag:s6] =	ssyncadd.s32 $0xFFFF8000  }
0x301: {  	[tilespmem:s14], [sflag:$0x1] =	stream.indirect.gather [spmem:s2], $0x40, s31, s13, $0xb8;
	[tilespmem:$0x1E400] =	vst v63  }
0x302: {  	_ =	swait.ge [sflag:s15], $0x8000  }
0x303: {  	[sflag:s15] =	ssyncset.done $0x0  }
0x304: {  	s22 =	simm.s32 $0x2400;
	[sflag:s15] =	ssyncadd.s32 $0xFFFF8000  }
0x305: {  	[spmem:s3] =	stream.indirect.scatter.add.f32 [tilespmem:s14], [sflag:$0x2], $0x40, s22, s13, $0xb8;
	[tilespmem:$0x1E400] =	vst v63  }
0x306: {  	_ =	swait.ge [sflag:s6], $0x8000  }
0x307: {  	[sflag:s6] =	ssyncset.done $0x0  }
0x308: {  	[sflag:s6] =	ssyncadd.s32 $0xFFFF8000  }
0x309: {  	[tilespmem:s14], [sflag:$0x1] =	stream.indirect.gather [spmem:s2], $0x40, s20, s13, $0xb8;
	[tilespmem:$0x1E400] =	vst v63  }
0x30a: {  	_ =	swait.ge [sflag:s15], $0x8000  }
0x30b: {  	[sflag:s15] =	ssyncset.done $0x0  }
0x30c: {  	[sflag:s15] =	ssyncadd.s32 $0xFFFF8000  }
0x30d: {  	[spmem:s3] =	stream.indirect.scatter.add.f32 [tilespmem:s14], [sflag:$0x2], $0x40, s21, s13, $0xb8;
	[tilespmem:$0x1E400] =	vst v63  }
0x30e: {  	_ =	swait.ge [sflag:s6], $0x8000  }
0x30f: {  	p0 =	sne.s32 s10, $0x1;
	[sflag:s6] =	ssyncset.done $0x0  }
.Ltmp1:
0x310: {  	[sflag:s6] =	ssyncadd.s32 $0xFFFF8000;
	(pc) =	sbr.rel @p0 .LBB2_2-.Ltmp1, $4  }
0x311: {  	[bflag:$0x0] =	sbarrier.arrive $0xFFFF  }
0x312: {  	s31 =	rddreg [dreg:$0x9]  }
0x313: {  	[hbm:s31], [sflag:s0] =	dma.local [spmem:s12], $0x13C0  }
0x314: {  	s10 =	sadd.s32 $0xFFFFFFFF, s10;
	_ =	swait.ge [sflag:s6], $0x13C0  }
.LBB2_3:
0x315: {  	[sflag:s6] =	ssyncset.done $0x0  }
0x316: {  	[sflag:s6] =	ssyncadd.s32 $0xFFFFEC40  }
0x317: {  	_ =	sfence.sel $0x180000  }
0x318: {  	[bflag:$0x0] =	sbarrier.arrive $0xFFFF  }
0x319: {  	_ =	strace $0x90000047  }
0x31a: {  	s0 =	stileid.u32;
	[bflag:$0x2] =	sbarrier.arrive $0xFFFF  }
0x31b: {  	p0 =	sne.s32 s0, $0x0;
	s0 =	rddreg [dreg:$0x5]  }
0x31c: {  	s0 =	sadd.s32 @!p0 $0x100000, s0  }
0x31d: {  	[sflag:s0] =	ssyncadd.tile.s32 @!p0 $0x1;
	_ =	shalt  }
.Lfunc_end2:
_tile_overlayer_lowered:
.L_overlay_start_2:
0x31e: {  	(tag) =	ssettag $0x2  }
0x31f: {  	s0 =	rddreg [dreg:$0x0];
	s2 =	stileid.u32  }
0x320: {  	s1 =	rddreg [dreg:$0x1];
	p0 =	sne.s32 s2, $0x0  }
0x321: {  	s3 =	rddreg [dreg:$0x2];
	[bflag:$0x3] =	sbarrier.arrive $0xFFFF;
	s2 =	simm.s32 @!p0 $0x1C02  }
0x322: {  	[timem:s3], [sflag:s2] =	dma.local @!p0 [hbm:s0], s1  }
0x323: {  	s0 =	simm.s32 @!p0 $0x2  }
0x324: {  	_ =	swait.ge @!p0 [sflag:s0], s1  }
0x325: {  	s1 =	ssub.s32 @!p0 $0x0, s1;
	[sflag:s0] =	ssyncset.done @!p0 $0x0  }
0x326: {  	[sflag:s0] =	ssyncadd.s32 @!p0 s1  }
0x327: {  	[bflag:$0x3] =	sbarrier.arrive $0xFFFF  }
0x328: {  	_ =	shalt  }

</sc_bundles>
